<compile_context>
chip_gen: v7x
topology: tpu7x:2x2x1
jax: 0.10.2.dev20260603
libtpu: 0.0.44.dev20260713+nightly
codegen_flags: <defaults>
</compile_context>

<pallas_src>
import functools

import jax
import jax.numpy as jnp
from jax import lax
from jax.experimental import pallas as pl
from jax.experimental.pallas import tpu as pltpu
from jax.experimental.pallas import tpu_sc as plsc

N = 10000
E = 320000
F = 128
NC = 2
NS = 16
NW = NC * NS
K = 128
CPT = 80
EPT = CPT * K
EPAD = NW * EPT
JUNK = 10112
NPAD = 10240
RPT = NPAD // NS
ZR = 128
BR = 128
G = (N + BR - 1) // BR

_mesh = plsc.VectorSubcoreMesh(core_axis_name="c", subcore_axis_name="s")


@functools.partial(
    pl.kernel,
    out_type=jax.ShapeDtypeStruct((NC, NPAD, 16), jnp.float32),
    mesh=_mesh,
    scratch_types=[
        pltpu.VMEM_SHARED((NPAD, 16), jnp.float32),
        pltpu.VMEM((K,), jnp.int32),
        pltpu.VMEM((K,), jnp.int32),
        pltpu.VMEM((K, 16), jnp.float32),
        pltpu.VMEM((RPT, 16), jnp.float32),
        pltpu.SemaphoreType.DMA,
        pltpu.SemaphoreType.DMA,
    ],
)
def _sc_degree(dst_hbm, out_hbm, hist, didx0, didx1, obuf, zbuf, is0, is1):
    cid = lax.axis_index("c")
    sid = lax.axis_index("s")
    wid = sid * NC + cid
    base = wid * CPT

    z16 = jnp.zeros((16,), jnp.float32)
    io = lax.iota(jnp.int32, 16)
    v1 = jnp.where(io == 0, 1.0, 0.0).astype(jnp.float32)

    def _zb(r, carry):
        zbuf[r] = z16
        return carry
    lax.fori_loop(0, RPT, _zb, 0)

    def _ob(r, carry):
        obuf[r] = v1
        return carry
    lax.fori_loop(0, K, _ob, 0)

    pltpu.sync_copy(zbuf, hist.at[pl.ds(sid * RPT, RPT)])
    plsc.subcore_barrier()

    pltpu.async_copy(dst_hbm.at[base], didx0, is0)

    def _pair(t, carry):
        c0 = 2 * t
        c1 = c0 + 1
        c2 = jnp.minimum(c0 + 2, CPT - 1)
        pltpu.make_async_copy(dst_hbm.at[base + c0], didx0, is0).wait()
        pltpu.async_copy(dst_hbm.at[base + c1], didx1, is1)
        pltpu.sync_copy(obuf, hist.at[didx0], add=True)
        pltpu.make_async_copy(dst_hbm.at[base + c1], didx1, is1).wait()
        pltpu.async_copy(dst_hbm.at[base + c2], didx0, is0)
        pltpu.sync_copy(obuf, hist.at[didx1], add=True)
        return carry
    lax.fori_loop(0, CPT // 2, _pair, 0)
    pltpu.make_async_copy(dst_hbm.at[base + CPT - 1], didx0, is0).wait()
    plsc.subcore_barrier()

    pltpu.sync_copy(hist.at[pl.ds(sid * RPT, RPT)], zbuf)
    pltpu.sync_copy(zbuf, out_hbm.at[cid, pl.ds(sid * RPT, RPT)])


@functools.partial(
    pl.kernel,
    out_type=jax.ShapeDtypeStruct((NC, NPAD, F), jnp.float32),
    mesh=_mesh,
    scratch_types=[
        pltpu.VMEM_SHARED((NPAD, F), jnp.float32),
        pltpu.VMEM((K,), jnp.int32),
        pltpu.VMEM((K,), jnp.int32),
        pltpu.VMEM((K,), jnp.int32),
        pltpu.VMEM((K,), jnp.int32),
        pltpu.VMEM((K, F), jnp.float32),
        pltpu.VMEM((ZR, F), jnp.float32),
        pltpu.SemaphoreType.DMA,
        pltpu.SemaphoreType.DMA,
        pltpu.SemaphoreType.DMA,
    ],
)
def _sc_spmm(xs_hbm, src_hbm, dst_hbm, out_hbm, acc,
             sidx0, sidx1, didx0, didx1, rows, zbuf, sem, is0, is1):
    cid = lax.axis_index("c")
    sid = lax.axis_index("s")
    wid = sid * NC + cid

    z16 = jnp.zeros((16,), jnp.float32)

    def _zb(r, carry):
        for j in range(F // 16):
            zbuf[r, pl.ds(j * 16, 16)] = z16
        return carry
    lax.fori_loop(0, ZR, _zb, 0)

    for t in range(RPT // ZR):
        pltpu.sync_copy(zbuf, acc.at[pl.ds(sid * RPT + t * ZR, ZR)])
    plsc.subcore_barrier()

    base = wid * CPT

    def _fire_idx(c, sb, db, s):
        pltpu.async_copy(src_hbm.at[base + c], sb, s)
        pltpu.async_copy(dst_hbm.at[base + c], db, s)

    def _wait_idx(c, sb, db, s):
        pltpu.make_async_copy(src_hbm.at[base + c], sb, s).wait()
        pltpu.make_async_copy(dst_hbm.at[base + c], db, s).wait()

    _fire_idx(0, sidx0, didx0, is0)

    def _pair(t, carry):
        c0 = 2 * t
        c1 = c0 + 1
        c2 = jnp.minimum(c0 + 2, CPT - 1)
        _wait_idx(c0, sidx0, didx0, is0)
        _fire_idx(c1, sidx1, didx1, is1)
        pltpu.async_copy(xs_hbm.at[sidx0], rows, sem).wait()
        pltpu.sync_copy(rows, acc.at[didx0], add=True)
        _wait_idx(c1, sidx1, didx1, is1)
        _fire_idx(c2, sidx0, didx0, is0)
        pltpu.async_copy(xs_hbm.at[sidx1], rows, sem).wait()
        pltpu.sync_copy(rows, acc.at[didx1], add=True)
        return carry
    lax.fori_loop(0, CPT // 2, _pair, 0)
    _wait_idx(CPT - 1, sidx0, didx0, is0)
    plsc.subcore_barrier()

    for t in range(RPT // ZR):
        pltpu.sync_copy(acc.at[pl.ds(sid * RPT + t * ZR, ZR)], zbuf)
        pltpu.sync_copy(zbuf, out_hbm.at[cid, pl.ds(sid * RPT + t * ZR, ZR)])


def _dis_scale_body(deg_ref, x_ref, dis_ref, xs_ref):
    p = deg_ref[...]
    deg = p[0, :, 0:1] + p[1, :, 0:1] + 1.0
    dis = lax.rsqrt(deg)
    dis_ref[...] = dis
    xs_ref[...] = x_ref[...] * dis


def _tc_dis_scale(deg_parts, x):
    return pl.pallas_call(
        _dis_scale_body,
        grid=(G,),
        in_specs=[
            pl.BlockSpec((NC, BR, 16), lambda i: (0, i, 0)),
            pl.BlockSpec((BR, F), lambda i: (i, 0)),
        ],
        out_specs=[
            pl.BlockSpec((BR, 1), lambda i: (i, 0)),
            pl.BlockSpec((BR, F), lambda i: (i, 0)),
        ],
        out_shape=[
            jax.ShapeDtypeStruct((G * BR, 1), jnp.float32),
            jax.ShapeDtypeStruct((N, F), jnp.float32),
        ],
    )(deg_parts, x)


def _final_body(p_ref, xs_ref, dis_ref, w_ref, b_ref, o_ref):
    p = p_ref[...]
    agg = (p[0] + p[1] + xs_ref[...]) * dis_ref[...]
    o_ref[...] = lax.dot_general(
        agg, w_ref[...], (((1,), (1,)), ((), ())),
        preferred_element_type=jnp.float32) + b_ref[...]


def _tc_final(parts, xs, dis, W, b2):
    return pl.pallas_call(
        _final_body,
        grid=(G,),
        in_specs=[
            pl.BlockSpec((NC, BR, F), lambda i: (0, i, 0)),
            pl.BlockSpec((BR, F), lambda i: (i, 0)),
            pl.BlockSpec((BR, 1), lambda i: (i, 0)),
            pl.BlockSpec((F, F), lambda i: (0, 0)),
            pl.BlockSpec((1, F), lambda i: (0, 0)),
        ],
        out_specs=pl.BlockSpec((BR, F), lambda i: (i, 0)),
        out_shape=jax.ShapeDtypeStruct((N, F), jnp.float32),
    )(parts, xs, dis, W, b2)


def kernel(input_x, edge_index, W, b):
    src = edge_index[0].astype(jnp.int32)
    dst = edge_index[1].astype(jnp.int32)
    padlen = EPAD - E
    spread = jnp.arange(padlen, dtype=jnp.int32) % 128
    srcp = jnp.concatenate([src, spread]).reshape(NW * CPT, K)
    dstp = jnp.concatenate([dst, JUNK + spread]).reshape(NW * CPT, K)
    deg_parts = _sc_degree(dstp)
    dis, xs = _tc_dis_scale(deg_parts, input_x)
    parts = _sc_spmm(xs, srcp, dstp)
    out = _tc_final(parts, xs, dis, W, b.reshape(1, F))
    return out

# --- scband reference (transcript-rebuilt; emitter-appended) ---
"""Pipeline reference for scband-graph-convolution-49426483642520 (READ-ONLY COPY).

The authoritative reference and input builder live on the scoring server;
editing this copy changes nothing except your own understanding.
"""

import jax, jax.numpy as jnp
import numpy as np

N_NODES = 10000
N_EDGES = 320000
IN_F = 128
OUT_F = 128

def setup_inputs(seed: int = 0) -> dict:
    key = jax.random.key(seed)
    k1, k2, k3 = jax.random.split(key, 3)
    input_x = jax.random.normal(k1, (N_NODES, IN_F), dtype=jnp.float32)
    edge_index = jax.random.randint(k2, (2, N_EDGES), 0, N_NODES, dtype=jnp.int64)
    # GCNConv linear weight (glorot init) and zero bias
    limit = np.sqrt(6.0 / (IN_F + OUT_F))
    W = jax.random.uniform(k3, (OUT_F, IN_F), dtype=jnp.float32, minval=-limit, maxval=limit)
    b = jnp.zeros((OUT_F,), dtype=jnp.float32)
    return {"input_x": input_x, "edge_index": edge_index, "W": W, "b": b}

def reference(input_x, edge_index, W, b):
    # Faithful GCNConv: add self-loops, symmetric normalization, scatter-add aggregation.
    N = input_x.shape[0]
    loop = jnp.arange(N, dtype=edge_index.dtype)
    src = jnp.concatenate([edge_index[0], loop])
    dst = jnp.concatenate([edge_index[1], loop])
    # linear transform (no bias inside lin; bias added after aggregation)
    x = input_x @ W.T
    # degree computed on destination nodes (col) with unit edge weights
    deg = jnp.zeros((N,), dtype=jnp.float32).at[dst].add(1.0)
    deg_inv_sqrt = jnp.where(deg > 0, jax.lax.rsqrt(jnp.maximum(deg, 1e-12)), 0.0)
    norm = deg_inv_sqrt[src] * deg_inv_sqrt[dst]
    # message passing: gather from src, weight by norm, scatter-add to dst
    msgs = norm[:, None] * jnp.take(x, src, axis=0)
    out = jnp.zeros((N, x.shape[1]), dtype=x.dtype).at[dst].add(msgs)
    return out + b

if __name__ == "__main__":
    import jax
    _d = setup_inputs()
    print(jax.jit(kernel)(*tuple(_d.values())))

</pallas_src>

<mosaic_0001>
#map = affine_map<(d0, d1) -> (0, 0)>
#map1 = affine_map<(d0, d1) -> (0, 0, 0)>
module attributes {stable_mosaic.version = 14 : i64} {
  func.func @_sc_spmm(%arg0: i32, %arg1: i32, %arg2: memref<10000x128xf32, #tpu.memory_space<hbm>>, %arg3: memref<2560x128xi32, #tpu.memory_space<hbm>>, %arg4: memref<2560x128xi32, #tpu.memory_space<hbm>>, %arg5: memref<2x10240x128xf32, #tpu.memory_space<hbm>>, %arg6: memref<10240x128xf32, #tpu.memory_space<vmem_shared>>, %arg7: memref<128xi32, #tpu.memory_space<vmem>>, %arg8: memref<128xi32, #tpu.memory_space<vmem>>, %arg9: memref<128xi32, #tpu.memory_space<vmem>>, %arg10: memref<128xi32, #tpu.memory_space<vmem>>, %arg11: memref<128x128xf32, #tpu.memory_space<vmem>>, %arg12: memref<128x128xf32, #tpu.memory_space<vmem>>, %arg13: memref<!tpu.dma_semaphore, #tpu.memory_space<semaphore_mem>>, %arg14: memref<!tpu.dma_semaphore, #tpu.memory_space<semaphore_mem>>, %arg15: memref<!tpu.dma_semaphore, #tpu.memory_space<semaphore_mem>>) attributes {dimension_semantics = [#tpu.dimension_semantics<core_parallel>, #tpu.dimension_semantics<subcore_parallel>], iteration_bounds = array<i64: 2, 16>, scalar_prefetch = 0 : i64, scratch_operands = 10 : i64, tpu.core_type = #tpu.core_type<sc_vector_subcore>, window_params = [{transform_indices = #map}, {transform_indices = #map}, {transform_indices = #map}, {transform_indices = #map1}]} {
    %mul3A = arith.constant 2 : i32
    %mul3A_0 = arith.muli %arg1, %mul3A : i32
    %add3A = arith.addi %mul3A_0, %arg0 : i32
    %broadcast_in_dim3A = arith.constant 0.000000e+00 : f32
    %broadcast_in_dim3A_1 = vector.broadcast %broadcast_in_dim3A : f32 to vector<16xf32>
    %scan3A = arith.constant 0 : i32
    %scan3A_2 = arith.constant 0 : i32
    %scan3A_3 = arith.constant 128 : i32
    %scan3A_4 = arith.addi %scan3A_2, %scan3A_3 : i32
    %scan3A_5 = arith.constant 1 : i32
    scf.for %scan3A_106 = %scan3A_2 to %scan3A_4 step %scan3A_5  : i32 {
      %swap3A = arith.index_cast %scan3A_106 : i32 to index
      %swap3A_107 = arith.constant 0 : index
      %swap3A_108 = tpu.vector_load %arg12[%swap3A, %swap3A_107] {strides = array<i32>} : memref<128x128xf32, #tpu.memory_space<vmem>>, vector<1x16xf32>,
      %swap3A_109 = vector.shape_cast %swap3A_108 : vector<1x16xf32> to vector<16xf32>
      %swap3A_110 = vector.shape_cast %broadcast_in_dim3A_1 : vector<16xf32> to vector<1x16xf32>
      tpu.vector_store %arg12[%swap3A, %swap3A_107], %swap3A_110 {strides = array<i32>} : memref<128x128xf32, #tpu.memory_space<vmem>>, vector<1x16xf32>,
      %swap3A_111 = arith.index_cast %scan3A_106 : i32 to index
      %swap3A_112 = arith.constant 16 : index
      %swap3A_113 = tpu.vector_load %arg12[%swap3A_111, %swap3A_112] {strides = array<i32>} : memref<128x128xf32, #tpu.memory_space<vmem>>, vector<1x16xf32>,
      %swap3A_114 = vector.shape_cast %swap3A_113 : vector<1x16xf32> to vector<16xf32>
      %swap3A_115 = vector.shape_cast %broadcast_in_dim3A_1 : vector<16xf32> to vector<1x16xf32>
      tpu.vector_store %arg12[%swap3A_111, %swap3A_112], %swap3A_115 {strides = array<i32>} : memref<128x128xf32, #tpu.memory_space<vmem>>, vector<1x16xf32>,
      %swap3A_116 = arith.index_cast %scan3A_106 : i32 to index
      %swap3A_117 = arith.constant 32 : index
      %swap3A_118 = tpu.vector_load %arg12[%swap3A_116, %swap3A_117] {strides = array<i32>} : memref<128x128xf32, #tpu.memory_space<vmem>>, vector<1x16xf32>,
      %swap3A_119 = vector.shape_cast %swap3A_118 : vector<1x16xf32> to vector<16xf32>
      %swap3A_120 = vector.shape_cast %broadcast_in_dim3A_1 : vector<16xf32> to vector<1x16xf32>
      tpu.vector_store %arg12[%swap3A_116, %swap3A_117], %swap3A_120 {strides = array<i32>} : memref<128x128xf32, #tpu.memory_space<vmem>>, vector<1x16xf32>,
      %swap3A_121 = arith.index_cast %scan3A_106 : i32 to index
      %swap3A_122 = arith.constant 48 : index
      %swap3A_123 = tpu.vector_load %arg12[%swap3A_121, %swap3A_122] {strides = array<i32>} : memref<128x128xf32, #tpu.memory_space<vmem>>, vector<1x16xf32>,
      %swap3A_124 = vector.shape_cast %swap3A_123 : vector<1x16xf32> to vector<16xf32>
      %swap3A_125 = vector.shape_cast %broadcast_in_dim3A_1 : vector<16xf32> to vector<1x16xf32>
      tpu.vector_store %arg12[%swap3A_121, %swap3A_122], %swap3A_125 {strides = array<i32>} : memref<128x128xf32, #tpu.memory_space<vmem>>, vector<1x16xf32>,
      %swap3A_126 = arith.index_cast %scan3A_106 : i32 to index
      %swap3A_127 = arith.constant 64 : index
      %swap3A_128 = tpu.vector_load %arg12[%swap3A_126, %swap3A_127] {strides = array<i32>} : memref<128x128xf32, #tpu.memory_space<vmem>>, vector<1x16xf32>,
      %swap3A_129 = vector.shape_cast %swap3A_128 : vector<1x16xf32> to vector<16xf32>
      %swap3A_130 = vector.shape_cast %broadcast_in_dim3A_1 : vector<16xf32> to vector<1x16xf32>
      tpu.vector_store %arg12[%swap3A_126, %swap3A_127], %swap3A_130 {strides = array<i32>} : memref<128x128xf32, #tpu.memory_space<vmem>>, vector<1x16xf32>,
      %swap3A_131 = arith.index_cast %scan3A_106 : i32 to index
      %swap3A_132 = arith.constant 80 : index
      %swap3A_133 = tpu.vector_load %arg12[%swap3A_131, %swap3A_132] {strides = array<i32>} : memref<128x128xf32, #tpu.memory_space<vmem>>, vector<1x16xf32>,
      %swap3A_134 = vector.shape_cast %swap3A_133 : vector<1x16xf32> to vector<16xf32>
      %swap3A_135 = vector.shape_cast %broadcast_in_dim3A_1 : vector<16xf32> to vector<1x16xf32>
      tpu.vector_store %arg12[%swap3A_131, %swap3A_132], %swap3A_135 {strides = array<i32>} : memref<128x128xf32, #tpu.memory_space<vmem>>, vector<1x16xf32>,
      %swap3A_136 = arith.index_cast %scan3A_106 : i32 to index
      %swap3A_137 = arith.constant 96 : index
      %swap3A_138 = tpu.vector_load %arg12[%swap3A_136, %swap3A_137] {strides = array<i32>} : memref<128x128xf32, #tpu.memory_space<vmem>>, vector<1x16xf32>,
      %swap3A_139 = vector.shape_cast %swap3A_138 : vector<1x16xf32> to vector<16xf32>
      %swap3A_140 = vector.shape_cast %broadcast_in_dim3A_1 : vector<16xf32> to vector<1x16xf32>
      tpu.vector_store %arg12[%swap3A_136, %swap3A_137], %swap3A_140 {strides = array<i32>} : memref<128x128xf32, #tpu.memory_space<vmem>>, vector<1x16xf32>,
      %swap3A_141 = arith.index_cast %scan3A_106 : i32 to index
      %swap3A_142 = arith.constant 112 : index
      %swap3A_143 = tpu.vector_load %arg12[%swap3A_141, %swap3A_142] {strides = array<i32>} : memref<128x128xf32, #tpu.memory_space<vmem>>, vector<1x16xf32>,
      %swap3A_144 = vector.shape_cast %swap3A_143 : vector<1x16xf32> to vector<16xf32>
      %swap3A_145 = vector.shape_cast %broadcast_in_dim3A_1 : vector<16xf32> to vector<1x16xf32>
      tpu.vector_store %arg12[%swap3A_141, %swap3A_142], %swap3A_145 {strides = array<i32>} : memref<128x128xf32, #tpu.memory_space<vmem>>, vector<1x16xf32>,
    }
    %scan3A_6 = arith.constant 128 : i32
    %mul3A_7 = arith.constant 640 : i32
    %mul3A_8 = arith.muli %arg1, %mul3A_7 : i32
    %add3A_9 = arith.constant 0 : i32
    %add3A_10 = arith.addi %mul3A_8, %add3A_9 : i32
    "tpu.region"() ({
      %run_scoped3A = tpu.sem_alloc : memref<!tpu.dma_semaphore, #tpu.memory_space<semaphore_mem>>
      %dma_start3A_106 = arith.constant 0 : i32
      %dma_start3A_107 = tpu.memref_slice %arg6[%add3A_10, %dma_start3A_106] : memref<10240x128xf32, #tpu.memory_space<vmem_shared>> -> memref<128x128xf32, #tpu.memory_space<vmem_shared>>
      %dma_start3A_108 = arith.constant 0 : i32
      %dma_start3A_109 = tpu.memref_slice %arg6[%add3A_10, %dma_start3A_108] : memref<10240x128xf32, #tpu.memory_space<vmem_shared>> -> memref<128x128xf32, #tpu.memory_space<vmem_shared>>
      tpu.enqueue_dma source(%arg12 : memref<128x128xf32, #tpu.memory_space<vmem>>) target(%dma_start3A_109 : memref<128x128xf32, #tpu.memory_space<vmem_shared>>) target_semaphore(%run_scoped3A : memref<!tpu.dma_semaphore, #tpu.memory_space<semaphore_mem>>)
      %dma_wait3A_110 = arith.constant 0 : i32
      %dma_wait3A_111 = tpu.memref_slice %arg6[%add3A_10, %dma_wait3A_110] : memref<10240x128xf32, #tpu.memory_space<vmem_shared>> -> memref<128x128xf32, #tpu.memory_space<vmem_shared>>
      %dma_wait3A_112 = arith.constant 0 : i32
      %dma_wait3A_113 = tpu.memref_slice %arg6[%add3A_10, %dma_wait3A_112] : memref<10240x128xf32, #tpu.memory_space<vmem_shared>> -> memref<128x128xf32, #tpu.memory_space<vmem_shared>>
      tpu.wait_dma2 semaphore(%run_scoped3A : memref<!tpu.dma_semaphore, #tpu.memory_space<semaphore_mem>>) src(%arg12 : memref<128x128xf32, #tpu.memory_space<vmem>>) dst(%dma_wait3A_113 : memref<128x128xf32, #tpu.memory_space<vmem_shared>>)
      tpu.yield
    }) : () -> ()
    %mul3A_11 = arith.constant 640 : i32
    %mul3A_12 = arith.muli %arg1, %mul3A_11 : i32
    %add3A_13 = arith.constant 128 : i32
    %add3A_14 = arith.addi %mul3A_12, %add3A_13 : i32
    "tpu.region"() ({
      %run_scoped3A = tpu.sem_alloc : memref<!tpu.dma_semaphore, #tpu.memory_space<semaphore_mem>>
      %dma_start3A_106 = arith.constant 0 : i32
      %dma_start3A_107 = tpu.memref_slice %arg6[%add3A_14, %dma_start3A_106] : memref<10240x128xf32, #tpu.memory_space<vmem_shared>> -> memref<128x128xf32, #tpu.memory_space<vmem_shared>>
      %dma_start3A_108 = arith.constant 0 : i32
      %dma_start3A_109 = tpu.memref_slice %arg6[%add3A_14, %dma_start3A_108] : memref<10240x128xf32, #tpu.memory_space<vmem_shared>> -> memref<128x128xf32, #tpu.memory_space<vmem_shared>>
      tpu.enqueue_dma source(%arg12 : memref<128x128xf32, #tpu.memory_space<vmem>>) target(%dma_start3A_109 : memref<128x128xf32, #tpu.memory_space<vmem_shared>>) target_semaphore(%run_scoped3A : memref<!tpu.dma_semaphore, #tpu.memory_space<semaphore_mem>>)
      %dma_wait3A_110 = arith.constant 0 : i32
      %dma_wait3A_111 = tpu.memref_slice %arg6[%add3A_14, %dma_wait3A_110] : memref<10240x128xf32, #tpu.memory_space<vmem_shared>> -> memref<128x128xf32, #tpu.memory_space<vmem_shared>>
      %dma_wait3A_112 = arith.constant 0 : i32
      %dma_wait3A_113 = tpu.memref_slice %arg6[%add3A_14, %dma_wait3A_112] : memref<10240x128xf32, #tpu.memory_space<vmem_shared>> -> memref<128x128xf32, #tpu.memory_space<vmem_shared>>
      tpu.wait_dma2 semaphore(%run_scoped3A : memref<!tpu.dma_semaphore, #tpu.memory_space<semaphore_mem>>) src(%arg12 : memref<128x128xf32, #tpu.memory_space<vmem>>) dst(%dma_wait3A_113 : memref<128x128xf32, #tpu.memory_space<vmem_shared>>)
      tpu.yield
    }) : () -> ()
    %mul3A_15 = arith.constant 640 : i32
    %mul3A_16 = arith.muli %arg1, %mul3A_15 : i32
    %add3A_17 = arith.constant 256 : i32
    %add3A_18 = arith.addi %mul3A_16, %add3A_17 : i32
    "tpu.region"() ({
      %run_scoped3A = tpu.sem_alloc : memref<!tpu.dma_semaphore, #tpu.memory_space<semaphore_mem>>
      %dma_start3A_106 = arith.constant 0 : i32
      %dma_start3A_107 = tpu.memref_slice %arg6[%add3A_18, %dma_start3A_106] : memref<10240x128xf32, #tpu.memory_space<vmem_shared>> -> memref<128x128xf32, #tpu.memory_space<vmem_shared>>
      %dma_start3A_108 = arith.constant 0 : i32
      %dma_start3A_109 = tpu.memref_slice %arg6[%add3A_18, %dma_start3A_108] : memref<10240x128xf32, #tpu.memory_space<vmem_shared>> -> memref<128x128xf32, #tpu.memory_space<vmem_shared>>
      tpu.enqueue_dma source(%arg12 : memref<128x128xf32, #tpu.memory_space<vmem>>) target(%dma_start3A_109 : memref<128x128xf32, #tpu.memory_space<vmem_shared>>) target_semaphore(%run_scoped3A : memref<!tpu.dma_semaphore, #tpu.memory_space<semaphore_mem>>)
      %dma_wait3A_110 = arith.constant 0 : i32
      %dma_wait3A_111 = tpu.memref_slice %arg6[%add3A_18, %dma_wait3A_110] : memref<10240x128xf32, #tpu.memory_space<vmem_shared>> -> memref<128x128xf32, #tpu.memory_space<vmem_shared>>
      %dma_wait3A_112 = arith.constant 0 : i32
      %dma_wait3A_113 = tpu.memref_slice %arg6[%add3A_18, %dma_wait3A_112] : memref<10240x128xf32, #tpu.memory_space<vmem_shared>> -> memref<128x128xf32, #tpu.memory_space<vmem_shared>>
      tpu.wait_dma2 semaphore(%run_scoped3A : memref<!tpu.dma_semaphore, #tpu.memory_space<semaphore_mem>>) src(%arg12 : memref<128x128xf32, #tpu.memory_space<vmem>>) dst(%dma_wait3A_113 : memref<128x128xf32, #tpu.memory_space<vmem_shared>>)
      tpu.yield
    }) : () -> ()
    %mul3A_19 = arith.constant 640 : i32
    %mul3A_20 = arith.muli %arg1, %mul3A_19 : i32
    %add3A_21 = arith.constant 384 : i32
    %add3A_22 = arith.addi %mul3A_20, %add3A_21 : i32
    "tpu.region"() ({
      %run_scoped3A = tpu.sem_alloc : memref<!tpu.dma_semaphore, #tpu.memory_space<semaphore_mem>>
      %dma_start3A_106 = arith.constant 0 : i32
      %dma_start3A_107 = tpu.memref_slice %arg6[%add3A_22, %dma_start3A_106] : memref<10240x128xf32, #tpu.memory_space<vmem_shared>> -> memref<128x128xf32, #tpu.memory_space<vmem_shared>>
      %dma_start3A_108 = arith.constant 0 : i32
      %dma_start3A_109 = tpu.memref_slice %arg6[%add3A_22, %dma_start3A_108] : memref<10240x128xf32, #tpu.memory_space<vmem_shared>> -> memref<128x128xf32, #tpu.memory_space<vmem_shared>>
      tpu.enqueue_dma source(%arg12 : memref<128x128xf32, #tpu.memory_space<vmem>>) target(%dma_start3A_109 : memref<128x128xf32, #tpu.memory_space<vmem_shared>>) target_semaphore(%run_scoped3A : memref<!tpu.dma_semaphore, #tpu.memory_space<semaphore_mem>>)
      %dma_wait3A_110 = arith.constant 0 : i32
      %dma_wait3A_111 = tpu.memref_slice %arg6[%add3A_22, %dma_wait3A_110] : memref<10240x128xf32, #tpu.memory_space<vmem_shared>> -> memref<128x128xf32, #tpu.memory_space<vmem_shared>>
      %dma_wait3A_112 = arith.constant 0 : i32
      %dma_wait3A_113 = tpu.memref_slice %arg6[%add3A_22, %dma_wait3A_112] : memref<10240x128xf32, #tpu.memory_space<vmem_shared>> -> memref<128x128xf32, #tpu.memory_space<vmem_shared>>
      tpu.wait_dma2 semaphore(%run_scoped3A : memref<!tpu.dma_semaphore, #tpu.memory_space<semaphore_mem>>) src(%arg12 : memref<128x128xf32, #tpu.memory_space<vmem>>) dst(%dma_wait3A_113 : memref<128x128xf32, #tpu.memory_space<vmem_shared>>)
      tpu.yield
    }) : () -> ()
    %mul3A_23 = arith.constant 640 : i32
    %mul3A_24 = arith.muli %arg1, %mul3A_23 : i32
    %add3A_25 = arith.constant 512 : i32
    %add3A_26 = arith.addi %mul3A_24, %add3A_25 : i32
    "tpu.region"() ({
      %run_scoped3A = tpu.sem_alloc : memref<!tpu.dma_semaphore, #tpu.memory_space<semaphore_mem>>
      %dma_start3A_106 = arith.constant 0 : i32
      %dma_start3A_107 = tpu.memref_slice %arg6[%add3A_26, %dma_start3A_106] : memref<10240x128xf32, #tpu.memory_space<vmem_shared>> -> memref<128x128xf32, #tpu.memory_space<vmem_shared>>
      %dma_start3A_108 = arith.constant 0 : i32
      %dma_start3A_109 = tpu.memref_slice %arg6[%add3A_26, %dma_start3A_108] : memref<10240x128xf32, #tpu.memory_space<vmem_shared>> -> memref<128x128xf32, #tpu.memory_space<vmem_shared>>
      tpu.enqueue_dma source(%arg12 : memref<128x128xf32, #tpu.memory_space<vmem>>) target(%dma_start3A_109 : memref<128x128xf32, #tpu.memory_space<vmem_shared>>) target_semaphore(%run_scoped3A : memref<!tpu.dma_semaphore, #tpu.memory_space<semaphore_mem>>)
      %dma_wait3A_110 = arith.constant 0 : i32
      %dma_wait3A_111 = tpu.memref_slice %arg6[%add3A_26, %dma_wait3A_110] : memref<10240x128xf32, #tpu.memory_space<vmem_shared>> -> memref<128x128xf32, #tpu.memory_space<vmem_shared>>
      %dma_wait3A_112 = arith.constant 0 : i32
      %dma_wait3A_113 = tpu.memref_slice %arg6[%add3A_26, %dma_wait3A_112] : memref<10240x128xf32, #tpu.memory_space<vmem_shared>> -> memref<128x128xf32, #tpu.memory_space<vmem_shared>>
      tpu.wait_dma2 semaphore(%run_scoped3A : memref<!tpu.dma_semaphore, #tpu.memory_space<semaphore_mem>>) src(%arg12 : memref<128x128xf32, #tpu.memory_space<vmem>>) dst(%dma_wait3A_113 : memref<128x128xf32, #tpu.memory_space<vmem_shared>>)
      tpu.yield
    }) : () -> ()
    %barrier3A = arith.constant 0 : index
    tpu.barrier barrier_id(%barrier3A)
    %mul3A_27 = arith.constant 80 : i32
    %mul3A_28 = arith.muli %add3A, %mul3A_27 : i32
    %add3A_29 = arith.constant 0 : i32
    %add3A_30 = arith.addi %mul3A_28, %add3A_29 : i32
    %dma_start3A = arith.constant 0 : i32
    %dma_start3A_31 = tpu.memref_slice %arg3[%add3A_30, %dma_start3A] : memref<2560x128xi32, #tpu.memory_space<hbm>> -> memref<1x128xi32, #tpu.memory_space<hbm>>
    %dma_start3A_32 = tpu.memref_squeeze %dma_start3A_31 : memref<1x128xi32, #tpu.memory_space<hbm>> -> memref<128xi32, #tpu.memory_space<hbm>>
    %dma_start3A_33 = arith.constant 0 : i32
    %dma_start3A_34 = tpu.memref_slice %arg3[%add3A_30, %dma_start3A_33] : memref<2560x128xi32, #tpu.memory_space<hbm>> -> memref<1x128xi32, #tpu.memory_space<hbm>>
    %dma_start3A_35 = tpu.memref_squeeze %dma_start3A_34 : memref<1x128xi32, #tpu.memory_space<hbm>> -> memref<128xi32, #tpu.memory_space<hbm>>
    tpu.enqueue_dma source(%dma_start3A_35 : memref<128xi32, #tpu.memory_space<hbm>>) target(%arg7 : memref<128xi32, #tpu.memory_space<vmem>>) target_semaphore(%arg14 : memref<!tpu.dma_semaphore, #tpu.memory_space<semaphore_mem>>)
    %add3A_36 = arith.constant 0 : i32
    %add3A_37 = arith.addi %mul3A_28, %add3A_36 : i32
    %dma_start3A_38 = arith.constant 0 : i32
    %dma_start3A_39 = tpu.memref_slice %arg4[%add3A_37, %dma_start3A_38] : memref<2560x128xi32, #tpu.memory_space<hbm>> -> memref<1x128xi32, #tpu.memory_space<hbm>>
    %dma_start3A_40 = tpu.memref_squeeze %dma_start3A_39 : memref<1x128xi32, #tpu.memory_space<hbm>> -> memref<128xi32, #tpu.memory_space<hbm>>
    %dma_start3A_41 = arith.constant 0 : i32
    %dma_start3A_42 = tpu.memref_slice %arg4[%add3A_37, %dma_start3A_41] : memref<2560x128xi32, #tpu.memory_space<hbm>> -> memref<1x128xi32, #tpu.memory_space<hbm>>
    %dma_start3A_43 = tpu.memref_squeeze %dma_start3A_42 : memref<1x128xi32, #tpu.memory_space<hbm>> -> memref<128xi32, #tpu.memory_space<hbm>>
    tpu.enqueue_dma source(%dma_start3A_43 : memref<128xi32, #tpu.memory_space<hbm>>) target(%arg9 : memref<128xi32, #tpu.memory_space<vmem>>) target_semaphore(%arg14 : memref<!tpu.dma_semaphore, #tpu.memory_space<semaphore_mem>>)
    %scan3A_44 = arith.constant 0 : i32
    %scan3A_45 = arith.constant 0 : i32
    %scan3A_46 = arith.constant 40 : i32
    %scan3A_47 = arith.addi %scan3A_45, %scan3A_46 : i32
    %scan3A_48 = arith.constant 1 : i32
    scf.for %scan3A_106 = %scan3A_45 to %scan3A_47 step %scan3A_48  : i32 {
      %mul3A_107 = arith.constant 2 : i32
      %mul3A_108 = arith.muli %mul3A_107, %scan3A_106 : i32
      %add3A_109 = arith.constant 1 : i32
      %add3A_110 = arith.addi %mul3A_108, %add3A_109 : i32
      %add3A_111 = arith.constant 2 : i32
      %add3A_112 = arith.addi %mul3A_108, %add3A_111 : i32
      %min3A = arith.constant 79 : i32
      %min3A_113 = arith.minsi %add3A_112, %min3A : i32
      %add3A_114 = arith.addi %mul3A_28, %mul3A_108 : i32
      %dma_wait3A_115 = arith.constant 0 : i32
      %dma_wait3A_116 = tpu.memref_slice %arg3[%add3A_114, %dma_wait3A_115] : memref<2560x128xi32, #tpu.memory_space<hbm>> -> memref<1x128xi32, #tpu.memory_space<hbm>>
      %dma_wait3A_117 = tpu.memref_squeeze %dma_wait3A_116 : memref<1x128xi32, #tpu.memory_space<hbm>> -> memref<128xi32, #tpu.memory_space<hbm>>
      %dma_wait3A_118 = arith.constant 0 : i32
      %dma_wait3A_119 = tpu.memref_slice %arg3[%add3A_114, %dma_wait3A_118] : memref<2560x128xi32, #tpu.memory_space<hbm>> -> memref<1x128xi32, #tpu.memory_space<hbm>>
      %dma_wait3A_120 = tpu.memref_squeeze %dma_wait3A_119 : memref<1x128xi32, #tpu.memory_space<hbm>> -> memref<128xi32, #tpu.memory_space<hbm>>
      tpu.wait_dma2 semaphore(%arg14 : memref<!tpu.dma_semaphore, #tpu.memory_space<semaphore_mem>>) src(%dma_wait3A_120 : memref<128xi32, #tpu.memory_space<hbm>>) dst(%arg7 : memref<128xi32, #tpu.memory_space<vmem>>)
      %add3A_121 = arith.addi %mul3A_28, %mul3A_108 : i32
      %dma_wait3A_122 = arith.constant 0 : i32
      %dma_wait3A_123 = tpu.memref_slice %arg4[%add3A_121, %dma_wait3A_122] : memref<2560x128xi32, #tpu.memory_space<hbm>> -> memref<1x128xi32, #tpu.memory_space<hbm>>
      %dma_wait3A_124 = tpu.memref_squeeze %dma_wait3A_123 : memref<1x128xi32, #tpu.memory_space<hbm>> -> memref<128xi32, #tpu.memory_space<hbm>>
      %dma_wait3A_125 = arith.constant 0 : i32
      %dma_wait3A_126 = tpu.memref_slice %arg4[%add3A_121, %dma_wait3A_125] : memref<2560x128xi32, #tpu.memory_space<hbm>> -> memref<1x128xi32, #tpu.memory_space<hbm>>
      %dma_wait3A_127 = tpu.memref_squeeze %dma_wait3A_126 : memref<1x128xi32, #tpu.memory_space<hbm>> -> memref<128xi32, #tpu.memory_space<hbm>>
      tpu.wait_dma2 semaphore(%arg14 : memref<!tpu.dma_semaphore, #tpu.memory_space<semaphore_mem>>) src(%dma_wait3A_127 : memref<128xi32, #tpu.memory_space<hbm>>) dst(%arg9 : memref<128xi32, #tpu.memory_space<vmem>>)
      %add3A_128 = arith.addi %mul3A_28, %add3A_110 : i32
      %dma_start3A_129 = arith.constant 0 : i32
      %dma_start3A_130 = tpu.memref_slice %arg3[%add3A_128, %dma_start3A_129] : memref<2560x128xi32, #tpu.memory_space<hbm>> -> memref<1x128xi32, #tpu.memory_space<hbm>>
      %dma_start3A_131 = tpu.memref_squeeze %dma_start3A_130 : memref<1x128xi32, #tpu.memory_space<hbm>> -> memref<128xi32, #tpu.memory_space<hbm>>
      %dma_start3A_132 = arith.constant 0 : i32
      %dma_start3A_133 = tpu.memref_slice %arg3[%add3A_128, %dma_start3A_132] : memref<2560x128xi32, #tpu.memory_space<hbm>> -> memref<1x128xi32, #tpu.memory_space<hbm>>
      %dma_start3A_134 = tpu.memref_squeeze %dma_start3A_133 : memref<1x128xi32, #tpu.memory_space<hbm>> -> memref<128xi32, #tpu.memory_space<hbm>>
      tpu.enqueue_dma source(%dma_start3A_134 : memref<128xi32, #tpu.memory_space<hbm>>) target(%arg8 : memref<128xi32, #tpu.memory_space<vmem>>) target_semaphore(%arg15 : memref<!tpu.dma_semaphore, #tpu.memory_space<semaphore_mem>>)
      %add3A_135 = arith.addi %mul3A_28, %add3A_110 : i32
      %dma_start3A_136 = arith.constant 0 : i32
      %dma_start3A_137 = tpu.memref_slice %arg4[%add3A_135, %dma_start3A_136] : memref<2560x128xi32, #tpu.memory_space<hbm>> -> memref<1x128xi32, #tpu.memory_space<hbm>>
      %dma_start3A_138 = tpu.memref_squeeze %dma_start3A_137 : memref<1x128xi32, #tpu.memory_space<hbm>> -> memref<128xi32, #tpu.memory_space<hbm>>
      %dma_start3A_139 = arith.constant 0 : i32
      %dma_start3A_140 = tpu.memref_slice %arg4[%add3A_135, %dma_start3A_139] : memref<2560x128xi32, #tpu.memory_space<hbm>> -> memref<1x128xi32, #tpu.memory_space<hbm>>
      %dma_start3A_141 = tpu.memref_squeeze %dma_start3A_140 : memref<1x128xi32, #tpu.memory_space<hbm>> -> memref<128xi32, #tpu.memory_space<hbm>>
      tpu.enqueue_dma source(%dma_start3A_141 : memref<128xi32, #tpu.memory_space<hbm>>) target(%arg10 : memref<128xi32, #tpu.memory_space<vmem>>) target_semaphore(%arg15 : memref<!tpu.dma_semaphore, #tpu.memory_space<semaphore_mem>>)
      %dma_start3A_142 = arith.constant 0 : i32
      %dma_start3A_143 = arith.constant 0 : i32
      %dma_start3A_144 = tpu.memref_slice %arg2[%dma_start3A_142, %dma_start3A_143] : memref<10000x128xf32, #tpu.memory_space<hbm>> -> memref<10000x128xf32, #tpu.memory_space<hbm>>
      tpu.enqueue_indirect_dma source(%dma_start3A_144 : memref<10000x128xf32, #tpu.memory_space<hbm>>) target(%arg11 : memref<128x128xf32, #tpu.memory_space<vmem>>) offsets(%arg7 : memref<128xi32, #tpu.memory_space<vmem>>) semaphore(%arg13 : memref<!tpu.dma_semaphore, #tpu.memory_space<semaphore_mem>>)
      %dma_wait3A_145 = arith.constant 0 : i32
      %dma_wait3A_146 = arith.constant 0 : i32
      %dma_wait3A_147 = tpu.memref_slice %arg2[%dma_wait3A_145, %dma_wait3A_146] : memref<10000x128xf32, #tpu.memory_space<hbm>> -> memref<10000x128xf32, #tpu.memory_space<hbm>>
      tpu.wait_indirect_dma semaphore(%arg13 : memref<!tpu.dma_semaphore, #tpu.memory_space<semaphore_mem>>) src(%dma_wait3A_147 : memref<10000x128xf32, #tpu.memory_space<hbm>>) dst(%arg11 : memref<128x128xf32, #tpu.memory_space<vmem>>)
      "tpu.region"() ({
        %run_scoped3A = tpu.sem_alloc : memref<!tpu.dma_semaphore, #tpu.memory_space<semaphore_mem>>
        %dma_start3A_182 = arith.constant 0 : i32
        %dma_start3A_183 = arith.constant 0 : i32
        %dma_start3A_184 = tpu.memref_slice %arg6[%dma_start3A_182, %dma_start3A_183] : memref<10240x128xf32, #tpu.memory_space<vmem_shared>> -> memref<10240x128xf32, #tpu.memory_space<vmem_shared>>
        tpu.enqueue_indirect_dma source(%arg11 : memref<128x128xf32, #tpu.memory_space<vmem>>) target(%dma_start3A_184 : memref<10240x128xf32, #tpu.memory_space<vmem_shared>>) offsets(%arg9 : memref<128xi32, #tpu.memory_space<vmem>>) semaphore(%run_scoped3A : memref<!tpu.dma_semaphore, #tpu.memory_space<semaphore_mem>>) {add = true}
        %dma_wait3A_185 = arith.constant 0 : i32
        %dma_wait3A_186 = arith.constant 0 : i32
        %dma_wait3A_187 = tpu.memref_slice %arg6[%dma_wait3A_185, %dma_wait3A_186] : memref<10240x128xf32, #tpu.memory_space<vmem_shared>> -> memref<10240x128xf32, #tpu.memory_space<vmem_shared>>
        tpu.wait_indirect_dma semaphore(%run_scoped3A : memref<!tpu.dma_semaphore, #tpu.memory_space<semaphore_mem>>) src(%arg11 : memref<128x128xf32, #tpu.memory_space<vmem>>) dst(%dma_wait3A_187 : memref<10240x128xf32, #tpu.memory_space<vmem_shared>>)
        tpu.yield
      }) : () -> ()
      %add3A_148 = arith.addi %mul3A_28, %add3A_110 : i32
      %dma_wait3A_149 = arith.constant 0 : i32
      %dma_wait3A_150 = tpu.memref_slice %arg3[%add3A_148, %dma_wait3A_149] : memref<2560x128xi32, #tpu.memory_space<hbm>> -> memref<1x128xi32, #tpu.memory_space<hbm>>
      %dma_wait3A_151 = tpu.memref_squeeze %dma_wait3A_150 : memref<1x128xi32, #tpu.memory_space<hbm>> -> memref<128xi32, #tpu.memory_space<hbm>>
      %dma_wait3A_152 = arith.constant 0 : i32
      %dma_wait3A_153 = tpu.memref_slice %arg3[%add3A_148, %dma_wait3A_152] : memref<2560x128xi32, #tpu.memory_space<hbm>> -> memref<1x128xi32, #tpu.memory_space<hbm>>
      %dma_wait3A_154 = tpu.memref_squeeze %dma_wait3A_153 : memref<1x128xi32, #tpu.memory_space<hbm>> -> memref<128xi32, #tpu.memory_space<hbm>>
      tpu.wait_dma2 semaphore(%arg15 : memref<!tpu.dma_semaphore, #tpu.memory_space<semaphore_mem>>) src(%dma_wait3A_154 : memref<128xi32, #tpu.memory_space<hbm>>) dst(%arg8 : memref<128xi32, #tpu.memory_space<vmem>>)
      %add3A_155 = arith.addi %mul3A_28, %add3A_110 : i32
      %dma_wait3A_156 = arith.constant 0 : i32
      %dma_wait3A_157 = tpu.memref_slice %arg4[%add3A_155, %dma_wait3A_156] : memref<2560x128xi32, #tpu.memory_space<hbm>> -> memref<1x128xi32, #tpu.memory_space<hbm>>
      %dma_wait3A_158 = tpu.memref_squeeze %dma_wait3A_157 : memref<1x128xi32, #tpu.memory_space<hbm>> -> memref<128xi32, #tpu.memory_space<hbm>>
      %dma_wait3A_159 = arith.constant 0 : i32
      %dma_wait3A_160 = tpu.memref_slice %arg4[%add3A_155, %dma_wait3A_159] : memref<2560x128xi32, #tpu.memory_space<hbm>> -> memref<1x128xi32, #tpu.memory_space<hbm>>
      %dma_wait3A_161 = tpu.memref_squeeze %dma_wait3A_160 : memref<1x128xi32, #tpu.memory_space<hbm>> -> memref<128xi32, #tpu.memory_space<hbm>>
      tpu.wait_dma2 semaphore(%arg15 : memref<!tpu.dma_semaphore, #tpu.memory_space<semaphore_mem>>) src(%dma_wait3A_161 : memref<128xi32, #tpu.memory_space<hbm>>) dst(%arg10 : memref<128xi32, #tpu.memory_space<vmem>>)
      %add3A_162 = arith.addi %mul3A_28, %min3A_113 : i32
      %dma_start3A_163 = arith.constant 0 : i32
      %dma_start3A_164 = tpu.memref_slice %arg3[%add3A_162, %dma_start3A_163] : memref<2560x128xi32, #tpu.memory_space<hbm>> -> memref<1x128xi32, #tpu.memory_space<hbm>>
      %dma_start3A_165 = tpu.memref_squeeze %dma_start3A_164 : memref<1x128xi32, #tpu.memory_space<hbm>> -> memref<128xi32, #tpu.memory_space<hbm>>
      %dma_start3A_166 = arith.constant 0 : i32
      %dma_start3A_167 = tpu.memref_slice %arg3[%add3A_162, %dma_start3A_166] : memref<2560x128xi32, #tpu.memory_space<hbm>> -> memref<1x128xi32, #tpu.memory_space<hbm>>
      %dma_start3A_168 = tpu.memref_squeeze %dma_start3A_167 : memref<1x128xi32, #tpu.memory_space<hbm>> -> memref<128xi32, #tpu.memory_space<hbm>>
      tpu.enqueue_dma source(%dma_start3A_168 : memref<128xi32, #tpu.memory_space<hbm>>) target(%arg7 : memref<128xi32, #tpu.memory_space<vmem>>) target_semaphore(%arg14 : memref<!tpu.dma_semaphore, #tpu.memory_space<semaphore_mem>>)
      %add3A_169 = arith.addi %mul3A_28, %min3A_113 : i32
      %dma_start3A_170 = arith.constant 0 : i32
      %dma_start3A_171 = tpu.memref_slice %arg4[%add3A_169, %dma_start3A_170] : memref<2560x128xi32, #tpu.memory_space<hbm>> -> memref<1x128xi32, #tpu.memory_space<hbm>>
      %dma_start3A_172 = tpu.memref_squeeze %dma_start3A_171 : memref<1x128xi32, #tpu.memory_space<hbm>> -> memref<128xi32, #tpu.memory_space<hbm>>
      %dma_start3A_173 = arith.constant 0 : i32
      %dma_start3A_174 = tpu.memref_slice %arg4[%add3A_169, %dma_start3A_173] : memref<2560x128xi32, #tpu.memory_space<hbm>> -> memref<1x128xi32, #tpu.memory_space<hbm>>
      %dma_start3A_175 = tpu.memref_squeeze %dma_start3A_174 : memref<1x128xi32, #tpu.memory_space<hbm>> -> memref<128xi32, #tpu.memory_space<hbm>>
      tpu.enqueue_dma source(%dma_start3A_175 : memref<128xi32, #tpu.memory_space<hbm>>) target(%arg9 : memref<128xi32, #tpu.memory_space<vmem>>) target_semaphore(%arg14 : memref<!tpu.dma_semaphore, #tpu.memory_space<semaphore_mem>>)
      %dma_start3A_176 = arith.constant 0 : i32
      %dma_start3A_177 = arith.constant 0 : i32
      %dma_start3A_178 = tpu.memref_slice %arg2[%dma_start3A_176, %dma_start3A_177] : memref<10000x128xf32, #tpu.memory_space<hbm>> -> memref<10000x128xf32, #tpu.memory_space<hbm>>
      tpu.enqueue_indirect_dma source(%dma_start3A_178 : memref<10000x128xf32, #tpu.memory_space<hbm>>) target(%arg11 : memref<128x128xf32, #tpu.memory_space<vmem>>) offsets(%arg8 : memref<128xi32, #tpu.memory_space<vmem>>) semaphore(%arg13 : memref<!tpu.dma_semaphore, #tpu.memory_space<semaphore_mem>>)
      %dma_wait3A_179 = arith.constant 0 : i32
      %dma_wait3A_180 = arith.constant 0 : i32
      %dma_wait3A_181 = tpu.memref_slice %arg2[%dma_wait3A_179, %dma_wait3A_180] : memref<10000x128xf32, #tpu.memory_space<hbm>> -> memref<10000x128xf32, #tpu.memory_space<hbm>>
      tpu.wait_indirect_dma semaphore(%arg13 : memref<!tpu.dma_semaphore, #tpu.memory_space<semaphore_mem>>) src(%dma_wait3A_181 : memref<10000x128xf32, #tpu.memory_space<hbm>>) dst(%arg11 : memref<128x128xf32, #tpu.memory_space<vmem>>)
      "tpu.region"() ({
        %run_scoped3A = tpu.sem_alloc : memref<!tpu.dma_semaphore, #tpu.memory_space<semaphore_mem>>
        %dma_start3A_182 = arith.constant 0 : i32
        %dma_start3A_183 = arith.constant 0 : i32
        %dma_start3A_184 = tpu.memref_slice %arg6[%dma_start3A_182, %dma_start3A_183] : memref<10240x128xf32, #tpu.memory_space<vmem_shared>> -> memref<10240x128xf32, #tpu.memory_space<vmem_shared>>
        tpu.enqueue_indirect_dma source(%arg11 : memref<128x128xf32, #tpu.memory_space<vmem>>) target(%dma_start3A_184 : memref<10240x128xf32, #tpu.memory_space<vmem_shared>>) offsets(%arg10 : memref<128xi32, #tpu.memory_space<vmem>>) semaphore(%run_scoped3A : memref<!tpu.dma_semaphore, #tpu.memory_space<semaphore_mem>>) {add = true}
        %dma_wait3A_185 = arith.constant 0 : i32
        %dma_wait3A_186 = arith.constant 0 : i32
        %dma_wait3A_187 = tpu.memref_slice %arg6[%dma_wait3A_185, %dma_wait3A_186] : memref<10240x128xf32, #tpu.memory_space<vmem_shared>> -> memref<10240x128xf32, #tpu.memory_space<vmem_shared>>
        tpu.wait_indirect_dma semaphore(%run_scoped3A : memref<!tpu.dma_semaphore, #tpu.memory_space<semaphore_mem>>) src(%arg11 : memref<128x128xf32, #tpu.memory_space<vmem>>) dst(%dma_wait3A_187 : memref<10240x128xf32, #tpu.memory_space<vmem_shared>>)
        tpu.yield
      }) : () -> ()
    }
    %scan3A_49 = arith.constant 40 : i32
    %add3A_50 = arith.constant 79 : i32
    %add3A_51 = arith.addi %mul3A_28, %add3A_50 : i32
    %dma_wait3A = arith.constant 0 : i32
    %dma_wait3A_52 = tpu.memref_slice %arg3[%add3A_51, %dma_wait3A] : memref<2560x128xi32, #tpu.memory_space<hbm>> -> memref<1x128xi32, #tpu.memory_space<hbm>>
    %dma_wait3A_53 = tpu.memref_squeeze %dma_wait3A_52 : memref<1x128xi32, #tpu.memory_space<hbm>> -> memref<128xi32, #tpu.memory_space<hbm>>
    %dma_wait3A_54 = arith.constant 0 : i32
    %dma_wait3A_55 = tpu.memref_slice %arg3[%add3A_51, %dma_wait3A_54] : memref<2560x128xi32, #tpu.memory_space<hbm>> -> memref<1x128xi32, #tpu.memory_space<hbm>>
    %dma_wait3A_56 = tpu.memref_squeeze %dma_wait3A_55 : memref<1x128xi32, #tpu.memory_space<hbm>> -> memref<128xi32, #tpu.memory_space<hbm>>
    tpu.wait_dma2 semaphore(%arg14 : memref<!tpu.dma_semaphore, #tpu.memory_space<semaphore_mem>>) src(%dma_wait3A_56 : memref<128xi32, #tpu.memory_space<hbm>>) dst(%arg7 : memref<128xi32, #tpu.memory_space<vmem>>)
    %add3A_57 = arith.constant 79 : i32
    %add3A_58 = arith.addi %mul3A_28, %add3A_57 : i32
    %dma_wait3A_59 = arith.constant 0 : i32
    %dma_wait3A_60 = tpu.memref_slice %arg4[%add3A_58, %dma_wait3A_59] : memref<2560x128xi32, #tpu.memory_space<hbm>> -> memref<1x128xi32, #tpu.memory_space<hbm>>
    %dma_wait3A_61 = tpu.memref_squeeze %dma_wait3A_60 : memref<1x128xi32, #tpu.memory_space<hbm>> -> memref<128xi32, #tpu.memory_space<hbm>>
    %dma_wait3A_62 = arith.constant 0 : i32
    %dma_wait3A_63 = tpu.memref_slice %arg4[%add3A_58, %dma_wait3A_62] : memref<2560x128xi32, #tpu.memory_space<hbm>> -> memref<1x128xi32, #tpu.memory_space<hbm>>
    %dma_wait3A_64 = tpu.memref_squeeze %dma_wait3A_63 : memref<1x128xi32, #tpu.memory_space<hbm>> -> memref<128xi32, #tpu.memory_space<hbm>>
    tpu.wait_dma2 semaphore(%arg14 : memref<!tpu.dma_semaphore, #tpu.memory_space<semaphore_mem>>) src(%dma_wait3A_64 : memref<128xi32, #tpu.memory_space<hbm>>) dst(%arg9 : memref<128xi32, #tpu.memory_space<vmem>>)
    %barrier3A_65 = arith.constant 0 : index
    tpu.barrier barrier_id(%barrier3A_65)
    %mul3A_66 = arith.constant 640 : i32
    %mul3A_67 = arith.muli %arg1, %mul3A_66 : i32
    %add3A_68 = arith.constant 0 : i32
    %add3A_69 = arith.addi %mul3A_67, %add3A_68 : i32
    "tpu.region"() ({
      %run_scoped3A = tpu.sem_alloc : memref<!tpu.dma_semaphore, #tpu.memory_space<semaphore_mem>>
      %dma_start3A_106 = arith.constant 0 : i32
      %dma_start3A_107 = tpu.memref_slice %arg6[%add3A_69, %dma_start3A_106] : memref<10240x128xf32, #tpu.memory_space<vmem_shared>> -> memref<128x128xf32, #tpu.memory_space<vmem_shared>>
      %dma_start3A_108 = arith.constant 0 : i32
      %dma_start3A_109 = tpu.memref_slice %arg6[%add3A_69, %dma_start3A_108] : memref<10240x128xf32, #tpu.memory_space<vmem_shared>> -> memref<128x128xf32, #tpu.memory_space<vmem_shared>>
      tpu.enqueue_dma source(%dma_start3A_109 : memref<128x128xf32, #tpu.memory_space<vmem_shared>>) target(%arg12 : memref<128x128xf32, #tpu.memory_space<vmem>>) target_semaphore(%run_scoped3A : memref<!tpu.dma_semaphore, #tpu.memory_space<semaphore_mem>>)
      %dma_wait3A_110 = arith.constant 0 : i32
      %dma_wait3A_111 = tpu.memref_slice %arg6[%add3A_69, %dma_wait3A_110] : memref<10240x128xf32, #tpu.memory_space<vmem_shared>> -> memref<128x128xf32, #tpu.memory_space<vmem_shared>>
      %dma_wait3A_112 = arith.constant 0 : i32
      %dma_wait3A_113 = tpu.memref_slice %arg6[%add3A_69, %dma_wait3A_112] : memref<10240x128xf32, #tpu.memory_space<vmem_shared>> -> memref<128x128xf32, #tpu.memory_space<vmem_shared>>
      tpu.wait_dma2 semaphore(%run_scoped3A : memref<!tpu.dma_semaphore, #tpu.memory_space<semaphore_mem>>) src(%dma_wait3A_113 : memref<128x128xf32, #tpu.memory_space<vmem_shared>>) dst(%arg12 : memref<128x128xf32, #tpu.memory_space<vmem>>)
      tpu.yield
    }) : () -> ()
    %mul3A_70 = arith.constant 640 : i32
    %mul3A_71 = arith.muli %arg1, %mul3A_70 : i32
    %add3A_72 = arith.constant 0 : i32
    %add3A_73 = arith.addi %mul3A_71, %add3A_72 : i32
    "tpu.region"() ({
      %run_scoped3A = tpu.sem_alloc : memref<!tpu.dma_semaphore, #tpu.memory_space<semaphore_mem>>
      %dma_start3A_106 = arith.constant 0 : i32
      %dma_start3A_107 = tpu.memref_slice %arg5[%arg0, %add3A_73, %dma_start3A_106] : memref<2x10240x128xf32, #tpu.memory_space<hbm>> -> memref<1x128x128xf32, #tpu.memory_space<hbm>>
      %dma_start3A_108 = tpu.memref_squeeze %dma_start3A_107 : memref<1x128x128xf32, #tpu.memory_space<hbm>> -> memref<128x128xf32, #tpu.memory_space<hbm>>
      %dma_start3A_109 = arith.constant 0 : i32
      %dma_start3A_110 = tpu.memref_slice %arg5[%arg0, %add3A_73, %dma_start3A_109] : memref<2x10240x128xf32, #tpu.memory_space<hbm>> -> memref<1x128x128xf32, #tpu.memory_space<hbm>>
      %dma_start3A_111 = tpu.memref_squeeze %dma_start3A_110 : memref<1x128x128xf32, #tpu.memory_space<hbm>> -> memref<128x128xf32, #tpu.memory_space<hbm>>
      tpu.enqueue_dma source(%arg12 : memref<128x128xf32, #tpu.memory_space<vmem>>) target(%dma_start3A_111 : memref<128x128xf32, #tpu.memory_space<hbm>>) target_semaphore(%run_scoped3A : memref<!tpu.dma_semaphore, #tpu.memory_space<semaphore_mem>>)
      %dma_wait3A_112 = arith.constant 0 : i32
      %dma_wait3A_113 = tpu.memref_slice %arg5[%arg0, %add3A_73, %dma_wait3A_112] : memref<2x10240x128xf32, #tpu.memory_space<hbm>> -> memref<1x128x128xf32, #tpu.memory_space<hbm>>
      %dma_wait3A_114 = tpu.memref_squeeze %dma_wait3A_113 : memref<1x128x128xf32, #tpu.memory_space<hbm>> -> memref<128x128xf32, #tpu.memory_space<hbm>>
      %dma_wait3A_115 = arith.constant 0 : i32
      %dma_wait3A_116 = tpu.memref_slice %arg5[%arg0, %add3A_73, %dma_wait3A_115] : memref<2x10240x128xf32, #tpu.memory_space<hbm>> -> memref<1x128x128xf32, #tpu.memory_space<hbm>>
      %dma_wait3A_117 = tpu.memref_squeeze %dma_wait3A_116 : memref<1x128x128xf32, #tpu.memory_space<hbm>> -> memref<128x128xf32, #tpu.memory_space<hbm>>
      tpu.wait_dma2 semaphore(%run_scoped3A : memref<!tpu.dma_semaphore, #tpu.memory_space<semaphore_mem>>) src(%arg12 : memref<128x128xf32, #tpu.memory_space<vmem>>) dst(%dma_wait3A_117 : memref<128x128xf32, #tpu.memory_space<hbm>>)
      tpu.yield
    }) : () -> ()
    %mul3A_74 = arith.constant 640 : i32
    %mul3A_75 = arith.muli %arg1, %mul3A_74 : i32
    %add3A_76 = arith.constant 128 : i32
    %add3A_77 = arith.addi %mul3A_75, %add3A_76 : i32
    "tpu.region"() ({
      %run_scoped3A = tpu.sem_alloc : memref<!tpu.dma_semaphore, #tpu.memory_space<semaphore_mem>>
      %dma_start3A_106 = arith.constant 0 : i32
      %dma_start3A_107 = tpu.memref_slice %arg6[%add3A_77, %dma_start3A_106] : memref<10240x128xf32, #tpu.memory_space<vmem_shared>> -> memref<128x128xf32, #tpu.memory_space<vmem_shared>>
      %dma_start3A_108 = arith.constant 0 : i32
      %dma_start3A_109 = tpu.memref_slice %arg6[%add3A_77, %dma_start3A_108] : memref<10240x128xf32, #tpu.memory_space<vmem_shared>> -> memref<128x128xf32, #tpu.memory_space<vmem_shared>>
      tpu.enqueue_dma source(%dma_start3A_109 : memref<128x128xf32, #tpu.memory_space<vmem_shared>>) target(%arg12 : memref<128x128xf32, #tpu.memory_space<vmem>>) target_semaphore(%run_scoped3A : memref<!tpu.dma_semaphore, #tpu.memory_space<semaphore_mem>>)
      %dma_wait3A_110 = arith.constant 0 : i32
      %dma_wait3A_111 = tpu.memref_slice %arg6[%add3A_77, %dma_wait3A_110] : memref<10240x128xf32, #tpu.memory_space<vmem_shared>> -> memref<128x128xf32, #tpu.memory_space<vmem_shared>>
      %dma_wait3A_112 = arith.constant 0 : i32
      %dma_wait3A_113 = tpu.memref_slice %arg6[%add3A_77, %dma_wait3A_112] : memref<10240x128xf32, #tpu.memory_space<vmem_shared>> -> memref<128x128xf32, #tpu.memory_space<vmem_shared>>
      tpu.wait_dma2 semaphore(%run_scoped3A : memref<!tpu.dma_semaphore, #tpu.memory_space<semaphore_mem>>) src(%dma_wait3A_113 : memref<128x128xf32, #tpu.memory_space<vmem_shared>>) dst(%arg12 : memref<128x128xf32, #tpu.memory_space<vmem>>)
      tpu.yield
    }) : () -> ()
    %mul3A_78 = arith.constant 640 : i32
    %mul3A_79 = arith.muli %arg1, %mul3A_78 : i32
    %add3A_80 = arith.constant 128 : i32
    %add3A_81 = arith.addi %mul3A_79, %add3A_80 : i32
    "tpu.region"() ({
      %run_scoped3A = tpu.sem_alloc : memref<!tpu.dma_semaphore, #tpu.memory_space<semaphore_mem>>
      %dma_start3A_106 = arith.constant 0 : i32
      %dma_start3A_107 = tpu.memref_slice %arg5[%arg0, %add3A_81, %dma_start3A_106] : memref<2x10240x128xf32, #tpu.memory_space<hbm>> -> memref<1x128x128xf32, #tpu.memory_space<hbm>>
      %dma_start3A_108 = tpu.memref_squeeze %dma_start3A_107 : memref<1x128x128xf32, #tpu.memory_space<hbm>> -> memref<128x128xf32, #tpu.memory_space<hbm>>
      %dma_start3A_109 = arith.constant 0 : i32
      %dma_start3A_110 = tpu.memref_slice %arg5[%arg0, %add3A_81, %dma_start3A_109] : memref<2x10240x128xf32, #tpu.memory_space<hbm>> -> memref<1x128x128xf32, #tpu.memory_space<hbm>>
      %dma_start3A_111 = tpu.memref_squeeze %dma_start3A_110 : memref<1x128x128xf32, #tpu.memory_space<hbm>> -> memref<128x128xf32, #tpu.memory_space<hbm>>
      tpu.enqueue_dma source(%arg12 : memref<128x128xf32, #tpu.memory_space<vmem>>) target(%dma_start3A_111 : memref<128x128xf32, #tpu.memory_space<hbm>>) target_semaphore(%run_scoped3A : memref<!tpu.dma_semaphore, #tpu.memory_space<semaphore_mem>>)
      %dma_wait3A_112 = arith.constant 0 : i32
      %dma_wait3A_113 = tpu.memref_slice %arg5[%arg0, %add3A_81, %dma_wait3A_112] : memref<2x10240x128xf32, #tpu.memory_space<hbm>> -> memref<1x128x128xf32, #tpu.memory_space<hbm>>
      %dma_wait3A_114 = tpu.memref_squeeze %dma_wait3A_113 : memref<1x128x128xf32, #tpu.memory_space<hbm>> -> memref<128x128xf32, #tpu.memory_space<hbm>>
      %dma_wait3A_115 = arith.constant 0 : i32
      %dma_wait3A_116 = tpu.memref_slice %arg5[%arg0, %add3A_81, %dma_wait3A_115] : memref<2x10240x128xf32, #tpu.memory_space<hbm>> -> memref<1x128x128xf32, #tpu.memory_space<hbm>>
      %dma_wait3A_117 = tpu.memref_squeeze %dma_wait3A_116 : memref<1x128x128xf32, #tpu.memory_space<hbm>> -> memref<128x128xf32, #tpu.memory_space<hbm>>
      tpu.wait_dma2 semaphore(%run_scoped3A : memref<!tpu.dma_semaphore, #tpu.memory_space<semaphore_mem>>) src(%arg12 : memref<128x128xf32, #tpu.memory_space<vmem>>) dst(%dma_wait3A_117 : memref<128x128xf32, #tpu.memory_space<hbm>>)
      tpu.yield
    }) : () -> ()
    %mul3A_82 = arith.constant 640 : i32
    %mul3A_83 = arith.muli %arg1, %mul3A_82 : i32
    %add3A_84 = arith.constant 256 : i32
    %add3A_85 = arith.addi %mul3A_83, %add3A_84 : i32
    "tpu.region"() ({
      %run_scoped3A = tpu.sem_alloc : memref<!tpu.dma_semaphore, #tpu.memory_space<semaphore_mem>>
      %dma_start3A_106 = arith.constant 0 : i32
      %dma_start3A_107 = tpu.memref_slice %arg6[%add3A_85, %dma_start3A_106] : memref<10240x128xf32, #tpu.memory_space<vmem_shared>> -> memref<128x128xf32, #tpu.memory_space<vmem_shared>>
      %dma_start3A_108 = arith.constant 0 : i32
      %dma_start3A_109 = tpu.memref_slice %arg6[%add3A_85, %dma_start3A_108] : memref<10240x128xf32, #tpu.memory_space<vmem_shared>> -> memref<128x128xf32, #tpu.memory_space<vmem_shared>>
      tpu.enqueue_dma source(%dma_start3A_109 : memref<128x128xf32, #tpu.memory_space<vmem_shared>>) target(%arg12 : memref<128x128xf32, #tpu.memory_space<vmem>>) target_semaphore(%run_scoped3A : memref<!tpu.dma_semaphore, #tpu.memory_space<semaphore_mem>>)
      %dma_wait3A_110 = arith.constant 0 : i32
      %dma_wait3A_111 = tpu.memref_slice %arg6[%add3A_85, %dma_wait3A_110] : memref<10240x128xf32, #tpu.memory_space<vmem_shared>> -> memref<128x128xf32, #tpu.memory_space<vmem_shared>>
      %dma_wait3A_112 = arith.constant 0 : i32
      %dma_wait3A_113 = tpu.memref_slice %arg6[%add3A_85, %dma_wait3A_112] : memref<10240x128xf32, #tpu.memory_space<vmem_shared>> -> memref<128x128xf32, #tpu.memory_space<vmem_shared>>
      tpu.wait_dma2 semaphore(%run_scoped3A : memref<!tpu.dma_semaphore, #tpu.memory_space<semaphore_mem>>) src(%dma_wait3A_113 : memref<128x128xf32, #tpu.memory_space<vmem_shared>>) dst(%arg12 : memref<128x128xf32, #tpu.memory_space<vmem>>)
      tpu.yield
    }) : () -> ()
    %mul3A_86 = arith.constant 640 : i32
    %mul3A_87 = arith.muli %arg1, %mul3A_86 : i32
    %add3A_88 = arith.constant 256 : i32
    %add3A_89 = arith.addi %mul3A_87, %add3A_88 : i32
    "tpu.region"() ({
      %run_scoped3A = tpu.sem_alloc : memref<!tpu.dma_semaphore, #tpu.memory_space<semaphore_mem>>
      %dma_start3A_106 = arith.constant 0 : i32
      %dma_start3A_107 = tpu.memref_slice %arg5[%arg0, %add3A_89, %dma_start3A_106] : memref<2x10240x128xf32, #tpu.memory_space<hbm>> -> memref<1x128x128xf32, #tpu.memory_space<hbm>>
      %dma_start3A_108 = tpu.memref_squeeze %dma_start3A_107 : memref<1x128x128xf32, #tpu.memory_space<hbm>> -> memref<128x128xf32, #tpu.memory_space<hbm>>
      %dma_start3A_109 = arith.constant 0 : i32
      %dma_start3A_110 = tpu.memref_slice %arg5[%arg0, %add3A_89, %dma_start3A_109] : memref<2x10240x128xf32, #tpu.memory_space<hbm>> -> memref<1x128x128xf32, #tpu.memory_space<hbm>>
      %dma_start3A_111 = tpu.memref_squeeze %dma_start3A_110 : memref<1x128x128xf32, #tpu.memory_space<hbm>> -> memref<128x128xf32, #tpu.memory_space<hbm>>
      tpu.enqueue_dma source(%arg12 : memref<128x128xf32, #tpu.memory_space<vmem>>) target(%dma_start3A_111 : memref<128x128xf32, #tpu.memory_space<hbm>>) target_semaphore(%run_scoped3A : memref<!tpu.dma_semaphore, #tpu.memory_space<semaphore_mem>>)
      %dma_wait3A_112 = arith.constant 0 : i32
      %dma_wait3A_113 = tpu.memref_slice %arg5[%arg0, %add3A_89, %dma_wait3A_112] : memref<2x10240x128xf32, #tpu.memory_space<hbm>> -> memref<1x128x128xf32, #tpu.memory_space<hbm>>
      %dma_wait3A_114 = tpu.memref_squeeze %dma_wait3A_113 : memref<1x128x128xf32, #tpu.memory_space<hbm>> -> memref<128x128xf32, #tpu.memory_space<hbm>>
      %dma_wait3A_115 = arith.constant 0 : i32
      %dma_wait3A_116 = tpu.memref_slice %arg5[%arg0, %add3A_89, %dma_wait3A_115] : memref<2x10240x128xf32, #tpu.memory_space<hbm>> -> memref<1x128x128xf32, #tpu.memory_space<hbm>>
      %dma_wait3A_117 = tpu.memref_squeeze %dma_wait3A_116 : memref<1x128x128xf32, #tpu.memory_space<hbm>> -> memref<128x128xf32, #tpu.memory_space<hbm>>
      tpu.wait_dma2 semaphore(%run_scoped3A : memref<!tpu.dma_semaphore, #tpu.memory_space<semaphore_mem>>) src(%arg12 : memref<128x128xf32, #tpu.memory_space<vmem>>) dst(%dma_wait3A_117 : memref<128x128xf32, #tpu.memory_space<hbm>>)
      tpu.yield
    }) : () -> ()
    %mul3A_90 = arith.constant 640 : i32
    %mul3A_91 = arith.muli %arg1, %mul3A_90 : i32
    %add3A_92 = arith.constant 384 : i32
    %add3A_93 = arith.addi %mul3A_91, %add3A_92 : i32
    "tpu.region"() ({
      %run_scoped3A = tpu.sem_alloc : memref<!tpu.dma_semaphore, #tpu.memory_space<semaphore_mem>>
      %dma_start3A_106 = arith.constant 0 : i32
      %dma_start3A_107 = tpu.memref_slice %arg6[%add3A_93, %dma_start3A_106] : memref<10240x128xf32, #tpu.memory_space<vmem_shared>> -> memref<128x128xf32, #tpu.memory_space<vmem_shared>>
      %dma_start3A_108 = arith.constant 0 : i32
      %dma_start3A_109 = tpu.memref_slice %arg6[%add3A_93, %dma_start3A_108] : memref<10240x128xf32, #tpu.memory_space<vmem_shared>> -> memref<128x128xf32, #tpu.memory_space<vmem_shared>>
      tpu.enqueue_dma source(%dma_start3A_109 : memref<128x128xf32, #tpu.memory_space<vmem_shared>>) target(%arg12 : memref<128x128xf32, #tpu.memory_space<vmem>>) target_semaphore(%run_scoped3A : memref<!tpu.dma_semaphore, #tpu.memory_space<semaphore_mem>>)
      %dma_wait3A_110 = arith.constant 0 : i32
      %dma_wait3A_111 = tpu.memref_slice %arg6[%add3A_93, %dma_wait3A_110] : memref<10240x128xf32, #tpu.memory_space<vmem_shared>> -> memref<128x128xf32, #tpu.memory_space<vmem_shared>>
      %dma_wait3A_112 = arith.constant 0 : i32
      %dma_wait3A_113 = tpu.memref_slice %arg6[%add3A_93, %dma_wait3A_112] : memref<10240x128xf32, #tpu.memory_space<vmem_shared>> -> memref<128x128xf32, #tpu.memory_space<vmem_shared>>
      tpu.wait_dma2 semaphore(%run_scoped3A : memref<!tpu.dma_semaphore, #tpu.memory_space<semaphore_mem>>) src(%dma_wait3A_113 : memref<128x128xf32, #tpu.memory_space<vmem_shared>>) dst(%arg12 : memref<128x128xf32, #tpu.memory_space<vmem>>)
      tpu.yield
    }) : () -> ()
    %mul3A_94 = arith.constant 640 : i32
    %mul3A_95 = arith.muli %arg1, %mul3A_94 : i32
    %add3A_96 = arith.constant 384 : i32
    %add3A_97 = arith.addi %mul3A_95, %add3A_96 : i32
    "tpu.region"() ({
      %run_scoped3A = tpu.sem_alloc : memref<!tpu.dma_semaphore, #tpu.memory_space<semaphore_mem>>
      %dma_start3A_106 = arith.constant 0 : i32
      %dma_start3A_107 = tpu.memref_slice %arg5[%arg0, %add3A_97, %dma_start3A_106] : memref<2x10240x128xf32, #tpu.memory_space<hbm>> -> memref<1x128x128xf32, #tpu.memory_space<hbm>>
      %dma_start3A_108 = tpu.memref_squeeze %dma_start3A_107 : memref<1x128x128xf32, #tpu.memory_space<hbm>> -> memref<128x128xf32, #tpu.memory_space<hbm>>
      %dma_start3A_109 = arith.constant 0 : i32
      %dma_start3A_110 = tpu.memref_slice %arg5[%arg0, %add3A_97, %dma_start3A_109] : memref<2x10240x128xf32, #tpu.memory_space<hbm>> -> memref<1x128x128xf32, #tpu.memory_space<hbm>>
      %dma_start3A_111 = tpu.memref_squeeze %dma_start3A_110 : memref<1x128x128xf32, #tpu.memory_space<hbm>> -> memref<128x128xf32, #tpu.memory_space<hbm>>
      tpu.enqueue_dma source(%arg12 : memref<128x128xf32, #tpu.memory_space<vmem>>) target(%dma_start3A_111 : memref<128x128xf32, #tpu.memory_space<hbm>>) target_semaphore(%run_scoped3A : memref<!tpu.dma_semaphore, #tpu.memory_space<semaphore_mem>>)
      %dma_wait3A_112 = arith.constant 0 : i32
      %dma_wait3A_113 = tpu.memref_slice %arg5[%arg0, %add3A_97, %dma_wait3A_112] : memref<2x10240x128xf32, #tpu.memory_space<hbm>> -> memref<1x128x128xf32, #tpu.memory_space<hbm>>
      %dma_wait3A_114 = tpu.memref_squeeze %dma_wait3A_113 : memref<1x128x128xf32, #tpu.memory_space<hbm>> -> memref<128x128xf32, #tpu.memory_space<hbm>>
      %dma_wait3A_115 = arith.constant 0 : i32
      %dma_wait3A_116 = tpu.memref_slice %arg5[%arg0, %add3A_97, %dma_wait3A_115] : memref<2x10240x128xf32, #tpu.memory_space<hbm>> -> memref<1x128x128xf32, #tpu.memory_space<hbm>>
      %dma_wait3A_117 = tpu.memref_squeeze %dma_wait3A_116 : memref<1x128x128xf32, #tpu.memory_space<hbm>> -> memref<128x128xf32, #tpu.memory_space<hbm>>
      tpu.wait_dma2 semaphore(%run_scoped3A : memref<!tpu.dma_semaphore, #tpu.memory_space<semaphore_mem>>) src(%arg12 : memref<128x128xf32, #tpu.memory_space<vmem>>) dst(%dma_wait3A_117 : memref<128x128xf32, #tpu.memory_space<hbm>>)
      tpu.yield
    }) : () -> ()
    %mul3A_98 = arith.constant 640 : i32
    %mul3A_99 = arith.muli %arg1, %mul3A_98 : i32
    %add3A_100 = arith.constant 512 : i32
    %add3A_101 = arith.addi %mul3A_99, %add3A_100 : i32
    "tpu.region"() ({
      %run_scoped3A = tpu.sem_alloc : memref<!tpu.dma_semaphore, #tpu.memory_space<semaphore_mem>>
      %dma_start3A_106 = arith.constant 0 : i32
      %dma_start3A_107 = tpu.memref_slice %arg6[%add3A_101, %dma_start3A_106] : memref<10240x128xf32, #tpu.memory_space<vmem_shared>> -> memref<128x128xf32, #tpu.memory_space<vmem_shared>>
      %dma_start3A_108 = arith.constant 0 : i32
      %dma_start3A_109 = tpu.memref_slice %arg6[%add3A_101, %dma_start3A_108] : memref<10240x128xf32, #tpu.memory_space<vmem_shared>> -> memref<128x128xf32, #tpu.memory_space<vmem_shared>>
      tpu.enqueue_dma source(%dma_start3A_109 : memref<128x128xf32, #tpu.memory_space<vmem_shared>>) target(%arg12 : memref<128x128xf32, #tpu.memory_space<vmem>>) target_semaphore(%run_scoped3A : memref<!tpu.dma_semaphore, #tpu.memory_space<semaphore_mem>>)
      %dma_wait3A_110 = arith.constant 0 : i32
      %dma_wait3A_111 = tpu.memref_slice %arg6[%add3A_101, %dma_wait3A_110] : memref<10240x128xf32, #tpu.memory_space<vmem_shared>> -> memref<128x128xf32, #tpu.memory_space<vmem_shared>>
      %dma_wait3A_112 = arith.constant 0 : i32
      %dma_wait3A_113 = tpu.memref_slice %arg6[%add3A_101, %dma_wait3A_112] : memref<10240x128xf32, #tpu.memory_space<vmem_shared>> -> memref<128x128xf32, #tpu.memory_space<vmem_shared>>
      tpu.wait_dma2 semaphore(%run_scoped3A : memref<!tpu.dma_semaphore, #tpu.memory_space<semaphore_mem>>) src(%dma_wait3A_113 : memref<128x128xf32, #tpu.memory_space<vmem_shared>>) dst(%arg12 : memref<128x128xf32, #tpu.memory_space<vmem>>)
      tpu.yield
    }) : () -> ()
    %mul3A_102 = arith.constant 640 : i32
    %mul3A_103 = arith.muli %arg1, %mul3A_102 : i32
    %add3A_104 = arith.constant 512 : i32
    %add3A_105 = arith.addi %mul3A_103, %add3A_104 : i32
    "tpu.region"() ({
      %run_scoped3A = tpu.sem_alloc : memref<!tpu.dma_semaphore, #tpu.memory_space<semaphore_mem>>
      %dma_start3A_106 = arith.constant 0 : i32
      %dma_start3A_107 = tpu.memref_slice %arg5[%arg0, %add3A_105, %dma_start3A_106] : memref<2x10240x128xf32, #tpu.memory_space<hbm>> -> memref<1x128x128xf32, #tpu.memory_space<hbm>>
      %dma_start3A_108 = tpu.memref_squeeze %dma_start3A_107 : memref<1x128x128xf32, #tpu.memory_space<hbm>> -> memref<128x128xf32, #tpu.memory_space<hbm>>
      %dma_start3A_109 = arith.constant 0 : i32
      %dma_start3A_110 = tpu.memref_slice %arg5[%arg0, %add3A_105, %dma_start3A_109] : memref<2x10240x128xf32, #tpu.memory_space<hbm>> -> memref<1x128x128xf32, #tpu.memory_space<hbm>>
      %dma_start3A_111 = tpu.memref_squeeze %dma_start3A_110 : memref<1x128x128xf32, #tpu.memory_space<hbm>> -> memref<128x128xf32, #tpu.memory_space<hbm>>
      tpu.enqueue_dma source(%arg12 : memref<128x128xf32, #tpu.memory_space<vmem>>) target(%dma_start3A_111 : memref<128x128xf32, #tpu.memory_space<hbm>>) target_semaphore(%run_scoped3A : memref<!tpu.dma_semaphore, #tpu.memory_space<semaphore_mem>>)
      %dma_wait3A_112 = arith.constant 0 : i32
      %dma_wait3A_113 = tpu.memref_slice %arg5[%arg0, %add3A_105, %dma_wait3A_112] : memref<2x10240x128xf32, #tpu.memory_space<hbm>> -> memref<1x128x128xf32, #tpu.memory_space<hbm>>
      %dma_wait3A_114 = tpu.memref_squeeze %dma_wait3A_113 : memref<1x128x128xf32, #tpu.memory_space<hbm>> -> memref<128x128xf32, #tpu.memory_space<hbm>>
      %dma_wait3A_115 = arith.constant 0 : i32
      %dma_wait3A_116 = tpu.memref_slice %arg5[%arg0, %add3A_105, %dma_wait3A_115] : memref<2x10240x128xf32, #tpu.memory_space<hbm>> -> memref<1x128x128xf32, #tpu.memory_space<hbm>>
      %dma_wait3A_117 = tpu.memref_squeeze %dma_wait3A_116 : memref<1x128x128xf32, #tpu.memory_space<hbm>> -> memref<128x128xf32, #tpu.memory_space<hbm>>
      tpu.wait_dma2 semaphore(%run_scoped3A : memref<!tpu.dma_semaphore, #tpu.memory_space<semaphore_mem>>) src(%arg12 : memref<128x128xf32, #tpu.memory_space<vmem>>) dst(%dma_wait3A_117 : memref<128x128xf32, #tpu.memory_space<hbm>>)
      tpu.yield
    }) : () -> ()
    return
  }
}

#map = affine_map<(d0, d1) -> (0, 0)>
#map1 = affine_map<(d0, d1) -> (0, 0, 0)>
module attributes {stable_mosaic.version = 14 : i64} {
  func.func @_sc_degree(%arg0: i32, %arg1: i32, %arg2: memref<2560x128xi32, #tpu.memory_space<hbm>>, %arg3: memref<2x10240x16xf32, #tpu.memory_space<hbm>>, %arg4: memref<10240x16xf32, #tpu.memory_space<vmem_shared>>, %arg5: memref<128xi32, #tpu.memory_space<vmem>>, %arg6: memref<128xi32, #tpu.memory_space<vmem>>, %arg7: memref<128x16xf32, #tpu.memory_space<vmem>>, %arg8: memref<640x16xf32, #tpu.memory_space<vmem>>, %arg9: memref<!tpu.dma_semaphore, #tpu.memory_space<semaphore_mem>>, %arg10: memref<!tpu.dma_semaphore, #tpu.memory_space<semaphore_mem>>) attributes {dimension_semantics = [#tpu.dimension_semantics<core_parallel>, #tpu.dimension_semantics<subcore_parallel>], iteration_bounds = array<i64: 2, 16>, scalar_prefetch = 0 : i64, scratch_operands = 7 : i64, tpu.core_type = #tpu.core_type<sc_vector_subcore>, window_params = [{transform_indices = #map}, {transform_indices = #map1}]} {
    %mul3A = arith.constant 2 : i32
    %mul3A_0 = arith.muli %arg1, %mul3A : i32
    %add3A = arith.addi %mul3A_0, %arg0 : i32
    %mul3A_1 = arith.constant 80 : i32
    %mul3A_2 = arith.muli %add3A, %mul3A_1 : i32
    %broadcast_in_dim3A = arith.constant 0.000000e+00 : f32
    %broadcast_in_dim3A_3 = vector.broadcast %broadcast_in_dim3A : f32 to vector<16xf32>
    %iota3A = tpu.iota {dimensions = array<i32: 0>} : vector<16xi32>
    %eq3A = arith.constant 0 : i32
    %eq3A_4 = vector.broadcast %eq3A : i32 to vector<16xi32>
    %eq3A_5 = arith.cmpi eq, %iota3A, %eq3A_4 : vector<16xi32>
    %jit3A = arith.constant 1.000000e+00 : f32
    %jit3A_6 = arith.constant 0.000000e+00 : f32
    %broadcast_in_dim3A_7 = vector.broadcast %jit3A : f32 to vector<16xf32>
    %broadcast_in_dim3A_8 = vector.broadcast %jit3A_6 : f32 to vector<16xf32>
    %select_n3A = arith.select %eq3A_5, %broadcast_in_dim3A_7, %broadcast_in_dim3A_8 : vector<16xi1>, vector<16xf32>
    %scan3A = arith.constant 0 : i32
    %scan3A_9 = arith.constant 0 : i32
    %scan3A_10 = arith.constant 640 : i32
    %scan3A_11 = arith.addi %scan3A_9, %scan3A_10 : i32
    %scan3A_12 = arith.constant 1 : i32
    scf.for %scan3A_46 = %scan3A_9 to %scan3A_11 step %scan3A_12  : i32 {
      %swap3A = arith.index_cast %scan3A_46 : i32 to index
      %swap3A_47 = arith.constant 0 : index
      %swap3A_48 = tpu.vector_load %arg8[%swap3A, %swap3A_47] {strides = array<i32>} : memref<640x16xf32, #tpu.memory_space<vmem>>, vector<1x16xf32>,
      %swap3A_49 = vector.shape_cast %swap3A_48 : vector<1x16xf32> to vector<16xf32>
      %swap3A_50 = vector.shape_cast %broadcast_in_dim3A_3 : vector<16xf32> to vector<1x16xf32>
      tpu.vector_store %arg8[%swap3A, %swap3A_47], %swap3A_50 {strides = array<i32>} : memref<640x16xf32, #tpu.memory_space<vmem>>, vector<1x16xf32>,
    }
    %scan3A_13 = arith.constant 640 : i32
    %scan3A_14 = arith.constant 0 : i32
    %scan3A_15 = arith.constant 0 : i32
    %scan3A_16 = arith.constant 128 : i32
    %scan3A_17 = arith.addi %scan3A_15, %scan3A_16 : i32
    %scan3A_18 = arith.constant 1 : i32
    scf.for %scan3A_46 = %scan3A_15 to %scan3A_17 step %scan3A_18  : i32 {
      %swap3A = arith.index_cast %scan3A_46 : i32 to index
      %swap3A_47 = arith.constant 0 : index
      %swap3A_48 = tpu.vector_load %arg7[%swap3A, %swap3A_47] {strides = array<i32>} : memref<128x16xf32, #tpu.memory_space<vmem>>, vector<1x16xf32>,
      %swap3A_49 = vector.shape_cast %swap3A_48 : vector<1x16xf32> to vector<16xf32>
      %swap3A_50 = vector.shape_cast %select_n3A : vector<16xf32> to vector<1x16xf32>
      tpu.vector_store %arg7[%swap3A, %swap3A_47], %swap3A_50 {strides = array<i32>} : memref<128x16xf32, #tpu.memory_space<vmem>>, vector<1x16xf32>,
    }
    %scan3A_19 = arith.constant 128 : i32
    %mul3A_20 = arith.constant 640 : i32
    %mul3A_21 = arith.muli %arg1, %mul3A_20 : i32
    "tpu.region"() ({
      %run_scoped3A = tpu.sem_alloc : memref<!tpu.dma_semaphore, #tpu.memory_space<semaphore_mem>>
      %dma_start3A_46 = arith.constant 0 : i32
      %dma_start3A_47 = tpu.memref_slice %arg4[%mul3A_21, %dma_start3A_46] : memref<10240x16xf32, #tpu.memory_space<vmem_shared>> -> memref<640x16xf32, #tpu.memory_space<vmem_shared>>
      %dma_start3A_48 = arith.constant 0 : i32
      %dma_start3A_49 = tpu.memref_slice %arg4[%mul3A_21, %dma_start3A_48] : memref<10240x16xf32, #tpu.memory_space<vmem_shared>> -> memref<640x16xf32, #tpu.memory_space<vmem_shared>>
      tpu.enqueue_dma source(%arg8 : memref<640x16xf32, #tpu.memory_space<vmem>>) target(%dma_start3A_49 : memref<640x16xf32, #tpu.memory_space<vmem_shared>>) target_semaphore(%run_scoped3A : memref<!tpu.dma_semaphore, #tpu.memory_space<semaphore_mem>>)
      %dma_wait3A_50 = arith.constant 0 : i32
      %dma_wait3A_51 = tpu.memref_slice %arg4[%mul3A_21, %dma_wait3A_50] : memref<10240x16xf32, #tpu.memory_space<vmem_shared>> -> memref<640x16xf32, #tpu.memory_space<vmem_shared>>
      %dma_wait3A_52 = arith.constant 0 : i32
      %dma_wait3A_53 = tpu.memref_slice %arg4[%mul3A_21, %dma_wait3A_52] : memref<10240x16xf32, #tpu.memory_space<vmem_shared>> -> memref<640x16xf32, #tpu.memory_space<vmem_shared>>
      tpu.wait_dma2 semaphore(%run_scoped3A : memref<!tpu.dma_semaphore, #tpu.memory_space<semaphore_mem>>) src(%arg8 : memref<640x16xf32, #tpu.memory_space<vmem>>) dst(%dma_wait3A_53 : memref<640x16xf32, #tpu.memory_space<vmem_shared>>)
      tpu.yield
    }) : () -> ()
    %barrier3A = arith.constant 0 : index
    tpu.barrier barrier_id(%barrier3A)
    %dma_start3A = arith.constant 0 : i32
    %dma_start3A_22 = tpu.memref_slice %arg2[%mul3A_2, %dma_start3A] : memref<2560x128xi32, #tpu.memory_space<hbm>> -> memref<1x128xi32, #tpu.memory_space<hbm>>
    %dma_start3A_23 = tpu.memref_squeeze %dma_start3A_22 : memref<1x128xi32, #tpu.memory_space<hbm>> -> memref<128xi32, #tpu.memory_space<hbm>>
    %dma_start3A_24 = arith.constant 0 : i32
    %dma_start3A_25 = tpu.memref_slice %arg2[%mul3A_2, %dma_start3A_24] : memref<2560x128xi32, #tpu.memory_space<hbm>> -> memref<1x128xi32, #tpu.memory_space<hbm>>
    %dma_start3A_26 = tpu.memref_squeeze %dma_start3A_25 : memref<1x128xi32, #tpu.memory_space<hbm>> -> memref<128xi32, #tpu.memory_space<hbm>>
    tpu.enqueue_dma source(%dma_start3A_26 : memref<128xi32, #tpu.memory_space<hbm>>) target(%arg5 : memref<128xi32, #tpu.memory_space<vmem>>) target_semaphore(%arg9 : memref<!tpu.dma_semaphore, #tpu.memory_space<semaphore_mem>>)
    %scan3A_27 = arith.constant 0 : i32
    %scan3A_28 = arith.constant 0 : i32
    %scan3A_29 = arith.constant 40 : i32
    %scan3A_30 = arith.addi %scan3A_28, %scan3A_29 : i32
    %scan3A_31 = arith.constant 1 : i32
    scf.for %scan3A_46 = %scan3A_28 to %scan3A_30 step %scan3A_31  : i32 {
      %mul3A_47 = arith.constant 2 : i32
      %mul3A_48 = arith.muli %mul3A_47, %scan3A_46 : i32
      %add3A_49 = arith.constant 1 : i32
      %add3A_50 = arith.addi %mul3A_48, %add3A_49 : i32
      %add3A_51 = arith.constant 2 : i32
      %add3A_52 = arith.addi %mul3A_48, %add3A_51 : i32
      %min3A = arith.constant 79 : i32
      %min3A_53 = arith.minsi %add3A_52, %min3A : i32
      %add3A_54 = arith.addi %mul3A_2, %mul3A_48 : i32
      %dma_wait3A_55 = arith.constant 0 : i32
      %dma_wait3A_56 = tpu.memref_slice %arg2[%add3A_54, %dma_wait3A_55] : memref<2560x128xi32, #tpu.memory_space<hbm>> -> memref<1x128xi32, #tpu.memory_space<hbm>>
      %dma_wait3A_57 = tpu.memref_squeeze %dma_wait3A_56 : memref<1x128xi32, #tpu.memory_space<hbm>> -> memref<128xi32, #tpu.memory_space<hbm>>
      %dma_wait3A_58 = arith.constant 0 : i32
      %dma_wait3A_59 = tpu.memref_slice %arg2[%add3A_54, %dma_wait3A_58] : memref<2560x128xi32, #tpu.memory_space<hbm>> -> memref<1x128xi32, #tpu.memory_space<hbm>>
      %dma_wait3A_60 = tpu.memref_squeeze %dma_wait3A_59 : memref<1x128xi32, #tpu.memory_space<hbm>> -> memref<128xi32, #tpu.memory_space<hbm>>
      tpu.wait_dma2 semaphore(%arg9 : memref<!tpu.dma_semaphore, #tpu.memory_space<semaphore_mem>>) src(%dma_wait3A_60 : memref<128xi32, #tpu.memory_space<hbm>>) dst(%arg5 : memref<128xi32, #tpu.memory_space<vmem>>)
      %add3A_61 = arith.addi %mul3A_2, %add3A_50 : i32
      %dma_start3A_62 = arith.constant 0 : i32
      %dma_start3A_63 = tpu.memref_slice %arg2[%add3A_61, %dma_start3A_62] : memref<2560x128xi32, #tpu.memory_space<hbm>> -> memref<1x128xi32, #tpu.memory_space<hbm>>
      %dma_start3A_64 = tpu.memref_squeeze %dma_start3A_63 : memref<1x128xi32, #tpu.memory_space<hbm>> -> memref<128xi32, #tpu.memory_space<hbm>>
      %dma_start3A_65 = arith.constant 0 : i32
      %dma_start3A_66 = tpu.memref_slice %arg2[%add3A_61, %dma_start3A_65] : memref<2560x128xi32, #tpu.memory_space<hbm>> -> memref<1x128xi32, #tpu.memory_space<hbm>>
      %dma_start3A_67 = tpu.memref_squeeze %dma_start3A_66 : memref<1x128xi32, #tpu.memory_space<hbm>> -> memref<128xi32, #tpu.memory_space<hbm>>
      tpu.enqueue_dma source(%dma_start3A_67 : memref<128xi32, #tpu.memory_space<hbm>>) target(%arg6 : memref<128xi32, #tpu.memory_space<vmem>>) target_semaphore(%arg10 : memref<!tpu.dma_semaphore, #tpu.memory_space<semaphore_mem>>)
      "tpu.region"() ({
        %run_scoped3A = tpu.sem_alloc : memref<!tpu.dma_semaphore, #tpu.memory_space<semaphore_mem>>
        %dma_start3A_82 = arith.constant 0 : i32
        %dma_start3A_83 = arith.constant 0 : i32
        %dma_start3A_84 = tpu.memref_slice %arg4[%dma_start3A_82, %dma_start3A_83] : memref<10240x16xf32, #tpu.memory_space<vmem_shared>> -> memref<10240x16xf32, #tpu.memory_space<vmem_shared>>
        tpu.enqueue_indirect_dma source(%arg7 : memref<128x16xf32, #tpu.memory_space<vmem>>) target(%dma_start3A_84 : memref<10240x16xf32, #tpu.memory_space<vmem_shared>>) offsets(%arg5 : memref<128xi32, #tpu.memory_space<vmem>>) semaphore(%run_scoped3A : memref<!tpu.dma_semaphore, #tpu.memory_space<semaphore_mem>>) {add = true}
        %dma_wait3A_85 = arith.constant 0 : i32
        %dma_wait3A_86 = arith.constant 0 : i32
        %dma_wait3A_87 = tpu.memref_slice %arg4[%dma_wait3A_85, %dma_wait3A_86] : memref<10240x16xf32, #tpu.memory_space<vmem_shared>> -> memref<10240x16xf32, #tpu.memory_space<vmem_shared>>
        tpu.wait_indirect_dma semaphore(%run_scoped3A : memref<!tpu.dma_semaphore, #tpu.memory_space<semaphore_mem>>) src(%arg7 : memref<128x16xf32, #tpu.memory_space<vmem>>) dst(%dma_wait3A_87 : memref<10240x16xf32, #tpu.memory_space<vmem_shared>>)
        tpu.yield
      }) : () -> ()
      %add3A_68 = arith.addi %mul3A_2, %add3A_50 : i32
      %dma_wait3A_69 = arith.constant 0 : i32
      %dma_wait3A_70 = tpu.memref_slice %arg2[%add3A_68, %dma_wait3A_69] : memref<2560x128xi32, #tpu.memory_space<hbm>> -> memref<1x128xi32, #tpu.memory_space<hbm>>
      %dma_wait3A_71 = tpu.memref_squeeze %dma_wait3A_70 : memref<1x128xi32, #tpu.memory_space<hbm>> -> memref<128xi32, #tpu.memory_space<hbm>>
      %dma_wait3A_72 = arith.constant 0 : i32
      %dma_wait3A_73 = tpu.memref_slice %arg2[%add3A_68, %dma_wait3A_72] : memref<2560x128xi32, #tpu.memory_space<hbm>> -> memref<1x128xi32, #tpu.memory_space<hbm>>
      %dma_wait3A_74 = tpu.memref_squeeze %dma_wait3A_73 : memref<1x128xi32, #tpu.memory_space<hbm>> -> memref<128xi32, #tpu.memory_space<hbm>>
      tpu.wait_dma2 semaphore(%arg10 : memref<!tpu.dma_semaphore, #tpu.memory_space<semaphore_mem>>) src(%dma_wait3A_74 : memref<128xi32, #tpu.memory_space<hbm>>) dst(%arg6 : memref<128xi32, #tpu.memory_space<vmem>>)
      %add3A_75 = arith.addi %mul3A_2, %min3A_53 : i32
      %dma_start3A_76 = arith.constant 0 : i32
      %dma_start3A_77 = tpu.memref_slice %arg2[%add3A_75, %dma_start3A_76] : memref<2560x128xi32, #tpu.memory_space<hbm>> -> memref<1x128xi32, #tpu.memory_space<hbm>>
      %dma_start3A_78 = tpu.memref_squeeze %dma_start3A_77 : memref<1x128xi32, #tpu.memory_space<hbm>> -> memref<128xi32, #tpu.memory_space<hbm>>
      %dma_start3A_79 = arith.constant 0 : i32
      %dma_start3A_80 = tpu.memref_slice %arg2[%add3A_75, %dma_start3A_79] : memref<2560x128xi32, #tpu.memory_space<hbm>> -> memref<1x128xi32, #tpu.memory_space<hbm>>
      %dma_start3A_81 = tpu.memref_squeeze %dma_start3A_80 : memref<1x128xi32, #tpu.memory_space<hbm>> -> memref<128xi32, #tpu.memory_space<hbm>>
      tpu.enqueue_dma source(%dma_start3A_81 : memref<128xi32, #tpu.memory_space<hbm>>) target(%arg5 : memref<128xi32, #tpu.memory_space<vmem>>) target_semaphore(%arg9 : memref<!tpu.dma_semaphore, #tpu.memory_space<semaphore_mem>>)
      "tpu.region"() ({
        %run_scoped3A = tpu.sem_alloc : memref<!tpu.dma_semaphore, #tpu.memory_space<semaphore_mem>>
        %dma_start3A_82 = arith.constant 0 : i32
        %dma_start3A_83 = arith.constant 0 : i32
        %dma_start3A_84 = tpu.memref_slice %arg4[%dma_start3A_82, %dma_start3A_83] : memref<10240x16xf32, #tpu.memory_space<vmem_shared>> -> memref<10240x16xf32, #tpu.memory_space<vmem_shared>>
        tpu.enqueue_indirect_dma source(%arg7 : memref<128x16xf32, #tpu.memory_space<vmem>>) target(%dma_start3A_84 : memref<10240x16xf32, #tpu.memory_space<vmem_shared>>) offsets(%arg6 : memref<128xi32, #tpu.memory_space<vmem>>) semaphore(%run_scoped3A : memref<!tpu.dma_semaphore, #tpu.memory_space<semaphore_mem>>) {add = true}
        %dma_wait3A_85 = arith.constant 0 : i32
        %dma_wait3A_86 = arith.constant 0 : i32
        %dma_wait3A_87 = tpu.memref_slice %arg4[%dma_wait3A_85, %dma_wait3A_86] : memref<10240x16xf32, #tpu.memory_space<vmem_shared>> -> memref<10240x16xf32, #tpu.memory_space<vmem_shared>>
        tpu.wait_indirect_dma semaphore(%run_scoped3A : memref<!tpu.dma_semaphore, #tpu.memory_space<semaphore_mem>>) src(%arg7 : memref<128x16xf32, #tpu.memory_space<vmem>>) dst(%dma_wait3A_87 : memref<10240x16xf32, #tpu.memory_space<vmem_shared>>)
        tpu.yield
      }) : () -> ()
    }
    %scan3A_32 = arith.constant 40 : i32
    %add3A_33 = arith.constant 80 : i32
    %add3A_34 = arith.addi %mul3A_2, %add3A_33 : i32
    %sub3A = arith.constant 1 : i32
    %sub3A_35 = arith.subi %add3A_34, %sub3A : i32
    %dma_wait3A = arith.constant 0 : i32
    %dma_wait3A_36 = tpu.memref_slice %arg2[%sub3A_35, %dma_wait3A] : memref<2560x128xi32, #tpu.memory_space<hbm>> -> memref<1x128xi32, #tpu.memory_space<hbm>>
    %dma_wait3A_37 = tpu.memref_squeeze %dma_wait3A_36 : memref<1x128xi32, #tpu.memory_space<hbm>> -> memref<128xi32, #tpu.memory_space<hbm>>
    %dma_wait3A_38 = arith.constant 0 : i32
    %dma_wait3A_39 = tpu.memref_slice %arg2[%sub3A_35, %dma_wait3A_38] : memref<2560x128xi32, #tpu.memory_space<hbm>> -> memref<1x128xi32, #tpu.memory_space<hbm>>
    %dma_wait3A_40 = tpu.memref_squeeze %dma_wait3A_39 : memref<1x128xi32, #tpu.memory_space<hbm>> -> memref<128xi32, #tpu.memory_space<hbm>>
    tpu.wait_dma2 semaphore(%arg9 : memref<!tpu.dma_semaphore, #tpu.memory_space<semaphore_mem>>) src(%dma_wait3A_40 : memref<128xi32, #tpu.memory_space<hbm>>) dst(%arg5 : memref<128xi32, #tpu.memory_space<vmem>>)
    %barrier3A_41 = arith.constant 0 : index
    tpu.barrier barrier_id(%barrier3A_41)
    %mul3A_42 = arith.constant 640 : i32
    %mul3A_43 = arith.muli %arg1, %mul3A_42 : i32
    "tpu.region"() ({
      %run_scoped3A = tpu.sem_alloc : memref<!tpu.dma_semaphore, #tpu.memory_space<semaphore_mem>>
      %dma_start3A_46 = arith.constant 0 : i32
      %dma_start3A_47 = tpu.memref_slice %arg4[%mul3A_43, %dma_start3A_46] : memref<10240x16xf32, #tpu.memory_space<vmem_shared>> -> memref<640x16xf32, #tpu.memory_space<vmem_shared>>
      %dma_start3A_48 = arith.constant 0 : i32
      %dma_start3A_49 = tpu.memref_slice %arg4[%mul3A_43, %dma_start3A_48] : memref<10240x16xf32, #tpu.memory_space<vmem_shared>> -> memref<640x16xf32, #tpu.memory_space<vmem_shared>>
      tpu.enqueue_dma source(%dma_start3A_49 : memref<640x16xf32, #tpu.memory_space<vmem_shared>>) target(%arg8 : memref<640x16xf32, #tpu.memory_space<vmem>>) target_semaphore(%run_scoped3A : memref<!tpu.dma_semaphore, #tpu.memory_space<semaphore_mem>>)
      %dma_wait3A_50 = arith.constant 0 : i32
      %dma_wait3A_51 = tpu.memref_slice %arg4[%mul3A_43, %dma_wait3A_50] : memref<10240x16xf32, #tpu.memory_space<vmem_shared>> -> memref<640x16xf32, #tpu.memory_space<vmem_shared>>
      %dma_wait3A_52 = arith.constant 0 : i32
      %dma_wait3A_53 = tpu.memref_slice %arg4[%mul3A_43, %dma_wait3A_52] : memref<10240x16xf32, #tpu.memory_space<vmem_shared>> -> memref<640x16xf32, #tpu.memory_space<vmem_shared>>
      tpu.wait_dma2 semaphore(%run_scoped3A : memref<!tpu.dma_semaphore, #tpu.memory_space<semaphore_mem>>) src(%dma_wait3A_53 : memref<640x16xf32, #tpu.memory_space<vmem_shared>>) dst(%arg8 : memref<640x16xf32, #tpu.memory_space<vmem>>)
      tpu.yield
    }) : () -> ()
    %mul3A_44 = arith.constant 640 : i32
    %mul3A_45 = arith.muli %arg1, %mul3A_44 : i32
    "tpu.region"() ({
      %run_scoped3A = tpu.sem_alloc : memref<!tpu.dma_semaphore, #tpu.memory_space<semaphore_mem>>
      %dma_start3A_46 = arith.constant 0 : i32
      %dma_start3A_47 = tpu.memref_slice %arg3[%arg0, %mul3A_45, %dma_start3A_46] : memref<2x10240x16xf32, #tpu.memory_space<hbm>> -> memref<1x640x16xf32, #tpu.memory_space<hbm>>
      %dma_start3A_48 = tpu.memref_squeeze %dma_start3A_47 : memref<1x640x16xf32, #tpu.memory_space<hbm>> -> memref<640x16xf32, #tpu.memory_space<hbm>>
      %dma_start3A_49 = arith.constant 0 : i32
      %dma_start3A_50 = tpu.memref_slice %arg3[%arg0, %mul3A_45, %dma_start3A_49] : memref<2x10240x16xf32, #tpu.memory_space<hbm>> -> memref<1x640x16xf32, #tpu.memory_space<hbm>>
      %dma_start3A_51 = tpu.memref_squeeze %dma_start3A_50 : memref<1x640x16xf32, #tpu.memory_space<hbm>> -> memref<640x16xf32, #tpu.memory_space<hbm>>
      tpu.enqueue_dma source(%arg8 : memref<640x16xf32, #tpu.memory_space<vmem>>) target(%dma_start3A_51 : memref<640x16xf32, #tpu.memory_space<hbm>>) target_semaphore(%run_scoped3A : memref<!tpu.dma_semaphore, #tpu.memory_space<semaphore_mem>>)
      %dma_wait3A_52 = arith.constant 0 : i32
      %dma_wait3A_53 = tpu.memref_slice %arg3[%arg0, %mul3A_45, %dma_wait3A_52] : memref<2x10240x16xf32, #tpu.memory_space<hbm>> -> memref<1x640x16xf32, #tpu.memory_space<hbm>>
      %dma_wait3A_54 = tpu.memref_squeeze %dma_wait3A_53 : memref<1x640x16xf32, #tpu.memory_space<hbm>> -> memref<640x16xf32, #tpu.memory_space<hbm>>
      %dma_wait3A_55 = arith.constant 0 : i32
      %dma_wait3A_56 = tpu.memref_slice %arg3[%arg0, %mul3A_45, %dma_wait3A_55] : memref<2x10240x16xf32, #tpu.memory_space<hbm>> -> memref<1x640x16xf32, #tpu.memory_space<hbm>>
      %dma_wait3A_57 = tpu.memref_squeeze %dma_wait3A_56 : memref<1x640x16xf32, #tpu.memory_space<hbm>> -> memref<640x16xf32, #tpu.memory_space<hbm>>
      tpu.wait_dma2 semaphore(%run_scoped3A : memref<!tpu.dma_semaphore, #tpu.memory_space<semaphore_mem>>) src(%arg8 : memref<640x16xf32, #tpu.memory_space<vmem>>) dst(%dma_wait3A_57 : memref<640x16xf32, #tpu.memory_space<hbm>>)
      tpu.yield
    }) : () -> ()
    return
  }
}

module attributes {stable_mosaic.version = 14 : i64} {
  func.func @_dis_scale_body(%arg0: i32, %arg1: memref<2x128x16xf32, #tpu.memory_space<vmem>>, %arg2: memref<128x128xf32, #tpu.memory_space<vmem>>, %arg3: memref<128x1xf32, #tpu.memory_space<vmem>>, %arg4: memref<128x128xf32, #tpu.memory_space<vmem>>) attributes {dimension_semantics = [#tpu.dimension_semantics<arbitrary>], iteration_bounds = array<i64: 79>, scalar_prefetch = 0 : i64, scratch_operands = 0 : i64, tpu.core_type = #tpu.core_type<tc>, window_params = [{transform_indices = @transform_0, window_bounds = array<i64: 2, 128, 16>}, {transform_indices = @transform_1, window_bounds = array<i64: 128, 128>}, {transform_indices = @transform_2, window_bounds = array<i64: 128, 1>}, {transform_indices = @transform_3, window_bounds = array<i64: 128, 128>}]} {
    %get3A = arith.constant 0 : index
    %get3A_0 = arith.constant 0 : index
    %get3A_1 = arith.constant 0 : index
    %get3A_2 = vector.load %arg1[%get3A, %get3A_0, %get3A_1] : memref<2x128x16xf32, #tpu.memory_space<vmem>>, vector<2x128x16xf32>
    %slice3A = vector.extract_strided_slice %get3A_2 {offsets = [0, 0, 0], sizes = [1, 128, 1], strides = [1, 1, 1]} : vector<2x128x16xf32> to vector<1x128x1xf32>
    %squeeze3A = vector.shape_cast %slice3A : vector<1x128x1xf32> to vector<128x1xf32>
    %slice3A_3 = vector.extract_strided_slice %get3A_2 {offsets = [1, 0, 0], sizes = [1, 128, 1], strides = [1, 1, 1]} : vector<2x128x16xf32> to vector<1x128x1xf32>
    %squeeze3A_4 = vector.shape_cast %slice3A_3 : vector<1x128x1xf32> to vector<128x1xf32>
    %add3A = arith.addf %squeeze3A, %squeeze3A_4 : vector<128x1xf32>
    %add3A_5 = arith.constant 1.000000e+00 : f32
    %add3A_6 = vector.broadcast %add3A_5 : f32 to vector<128x1xf32>
    %add3A_7 = arith.addf %add3A, %add3A_6 : vector<128x1xf32>
    %rsqrt3A = math.rsqrt %add3A_7 : vector<128x1xf32>
    %swap3A = arith.constant 0 : index
    %swap3A_8 = arith.constant 0 : index
    %swap3A_9 = vector.load %arg3[%swap3A, %swap3A_8] : memref<128x1xf32, #tpu.memory_space<vmem>>, vector<128x1xf32>
    tpu.vector_store %arg3[%swap3A, %swap3A_8], %rsqrt3A {strides = array<i32>} : memref<128x1xf32, #tpu.memory_space<vmem>>, vector<128x1xf32>,
    %get3A_10 = arith.constant 0 : index
    %get3A_11 = arith.constant 0 : index
    %get3A_12 = vector.load %arg2[%get3A_10, %get3A_11] : memref<128x128xf32, #tpu.memory_space<vmem>>, vector<128x128xf32>
    %mul3A = vector.broadcast %rsqrt3A : vector<128x1xf32> to vector<128x128xf32>
    %mul3A_13 = arith.mulf %get3A_12, %mul3A : vector<128x128xf32>
    %swap3A_14 = arith.constant 0 : index
    %swap3A_15 = arith.constant 0 : index
    %swap3A_16 = vector.load %arg4[%swap3A_14, %swap3A_15] : memref<128x128xf32, #tpu.memory_space<vmem>>, vector<128x128xf32>
    tpu.vector_store %arg4[%swap3A_14, %swap3A_15], %mul3A_13 {strides = array<i32>} : memref<128x128xf32, #tpu.memory_space<vmem>>, vector<128x128xf32>,
    return
  }
  func.func @transform_0(%arg0: i32) -> (i32, i32, i32) {
    %c0_i32 = arith.constant 0 : i32
    %c0_i32_0 = arith.constant 0 : i32
    %c0_i32_1 = arith.constant 0 : i32
    return %c0_i32, %arg0, %c0_i32_0 : i32, i32, i32
  }
  func.func @transform_1(%arg0: i32) -> (i32, i32) {
    %c0_i32 = arith.constant 0 : i32
    %c0_i32_0 = arith.constant 0 : i32
    return %arg0, %c0_i32 : i32, i32
  }
  func.func @transform_2(%arg0: i32) -> (i32, i32) {
    %c0_i32 = arith.constant 0 : i32
    %c0_i32_0 = arith.constant 0 : i32
    return %arg0, %c0_i32 : i32, i32
  }
  func.func @transform_3(%arg0: i32) -> (i32, i32) {
    %c0_i32 = arith.constant 0 : i32
    %c0_i32_0 = arith.constant 0 : i32
    return %arg0, %c0_i32 : i32, i32
  }
}

module attributes {stable_mosaic.version = 14 : i64} {
  func.func @_final_body(%arg0: i32, %arg1: memref<2x128x128xf32, #tpu.memory_space<vmem>>, %arg2: memref<128x128xf32, #tpu.memory_space<vmem>>, %arg3: memref<128x1xf32, #tpu.memory_space<vmem>>, %arg4: memref<128x128xf32, #tpu.memory_space<vmem>>, %arg5: memref<1x128xf32, #tpu.memory_space<vmem>>, %arg6: memref<128x128xf32, #tpu.memory_space<vmem>>) attributes {dimension_semantics = [#tpu.dimension_semantics<arbitrary>], iteration_bounds = array<i64: 79>, scalar_prefetch = 0 : i64, scratch_operands = 0 : i64, tpu.core_type = #tpu.core_type<tc>, window_params = [{transform_indices = @transform_0, window_bounds = array<i64: 2, 128, 128>}, {transform_indices = @transform_1, window_bounds = array<i64: 128, 128>}, {transform_indices = @transform_2, window_bounds = array<i64: 128, 1>}, {pipeline_mode = #tpu.pipeline_mode<synchronous>, transform_indices = @transform_3, window_bounds = array<i64: 128, 128>}, {pipeline_mode = #tpu.pipeline_mode<synchronous>, transform_indices = @transform_4, window_bounds = array<i64: 1, 128>}, {transform_indices = @transform_5, window_bounds = array<i64: 128, 128>}]} {
    %get3A = arith.constant 0 : index
    %get3A_0 = arith.constant 0 : index
    %get3A_1 = arith.constant 0 : index
    %get3A_2 = vector.load %arg1[%get3A, %get3A_0, %get3A_1] : memref<2x128x128xf32, #tpu.memory_space<vmem>>, vector<2x128x128xf32>
    %slice3A = vector.extract_strided_slice %get3A_2 {offsets = [0, 0, 0], sizes = [1, 128, 128], strides = [1, 1, 1]} : vector<2x128x128xf32> to vector<1x128x128xf32>
    %squeeze3A = vector.shape_cast %slice3A : vector<1x128x128xf32> to vector<128x128xf32>
    %slice3A_3 = vector.extract_strided_slice %get3A_2 {offsets = [1, 0, 0], sizes = [1, 128, 128], strides = [1, 1, 1]} : vector<2x128x128xf32> to vector<1x128x128xf32>
    %squeeze3A_4 = vector.shape_cast %slice3A_3 : vector<1x128x128xf32> to vector<128x128xf32>
    %add3A = arith.addf %squeeze3A, %squeeze3A_4 : vector<128x128xf32>
    %get3A_5 = arith.constant 0 : index
    %get3A_6 = arith.constant 0 : index
    %get3A_7 = vector.load %arg2[%get3A_5, %get3A_6] : memref<128x128xf32, #tpu.memory_space<vmem>>, vector<128x128xf32>
    %add3A_8 = arith.addf %add3A, %get3A_7 : vector<128x128xf32>
    %get3A_9 = arith.constant 0 : index
    %get3A_10 = arith.constant 0 : index
    %get3A_11 = vector.load %arg3[%get3A_9, %get3A_10] : memref<128x1xf32, #tpu.memory_space<vmem>>, vector<128x1xf32>
    %mul3A = vector.broadcast %get3A_11 : vector<128x1xf32> to vector<128x128xf32>
    %mul3A_12 = arith.mulf %add3A_8, %mul3A : vector<128x128xf32>
    %get3A_13 = arith.constant 0 : index
    %get3A_14 = arith.constant 0 : index
    %get3A_15 = vector.load %arg4[%get3A_13, %get3A_14] : memref<128x128xf32, #tpu.memory_space<vmem>>, vector<128x128xf32>
    %dot_general3A = arith.constant dense<0.000000e+00> : vector<128x128xf32>
    %dot_general3A_16 = tpu.matmul %mul3A_12, %get3A_15, %dot_general3A {dimension_numbers = #tpu.dot_dimension_numbers<[1], [1], [0], [0], [0, 0, 1, 0], [], []>, transpose_lhs_hint = false} : vector<128x128xf32>, vector<128x128xf32>, vector<128x128xf32> -> vector<128x128xf32>
    %get3A_17 = arith.constant 0 : index
    %get3A_18 = arith.constant 0 : index
    %get3A_19 = vector.load %arg5[%get3A_17, %get3A_18] : memref<1x128xf32, #tpu.memory_space<vmem>>, vector<1x128xf32>
    %add3A_20 = vector.broadcast %get3A_19 : vector<1x128xf32> to vector<128x128xf32>
    %add3A_21 = arith.addf %dot_general3A_16, %add3A_20 : vector<128x128xf32>
    %swap3A = arith.constant 0 : index
    %swap3A_22 = arith.constant 0 : index
    %swap3A_23 = vector.load %arg6[%swap3A, %swap3A_22] : memref<128x128xf32, #tpu.memory_space<vmem>>, vector<128x128xf32>
    tpu.vector_store %arg6[%swap3A, %swap3A_22], %add3A_21 {strides = array<i32>} : memref<128x128xf32, #tpu.memory_space<vmem>>, vector<128x128xf32>,
    return
  }
  func.func @transform_0(%arg0: i32) -> (i32, i32, i32) {
    %c0_i32 = arith.constant 0 : i32
    %c0_i32_0 = arith.constant 0 : i32
    %c0_i32_1 = arith.constant 0 : i32
    return %c0_i32, %arg0, %c0_i32_0 : i32, i32, i32
  }
  func.func @transform_1(%arg0: i32) -> (i32, i32) {
    %c0_i32 = arith.constant 0 : i32
    %c0_i32_0 = arith.constant 0 : i32
    return %arg0, %c0_i32 : i32, i32
  }
  func.func @transform_2(%arg0: i32) -> (i32, i32) {
    %c0_i32 = arith.constant 0 : i32
    %c0_i32_0 = arith.constant 0 : i32
    return %arg0, %c0_i32 : i32, i32
  }
  func.func @transform_3(%arg0: i32) -> (i32, i32) {
    %c0_i32 = arith.constant 0 : i32
    %c0_i32_0 = arith.constant 0 : i32
    %c0_i32_1 = arith.constant 0 : i32
    return %c0_i32, %c0_i32_0 : i32, i32
  }
  func.func @transform_4(%arg0: i32) -> (i32, i32) {
    %c0_i32 = arith.constant 0 : i32
    %c0_i32_0 = arith.constant 0 : i32
    %c0_i32_1 = arith.constant 0 : i32
    return %c0_i32, %c0_i32_0 : i32, i32
  }
  func.func @transform_5(%arg0: i32) -> (i32, i32) {
    %c0_i32 = arith.constant 0 : i32
    %c0_i32_0 = arith.constant 0 : i32
    return %arg0, %c0_i32 : i32, i32
  }
}

</mosaic_0001>

<sc_bundles>
// kernel: kernel.6.cloned.1.call-start
scs
__scs_entry_jumppad:
0x0: {  	(pc) =	sbr.rel $0x88, $3  }
0x1: {  	(tag) =	ssettag $0x0;
	lr =	simm.s32 $0x1  }
0x2: {  	[smem:$0x3F9D] =	sst lr;
	_ =	strace $0xD0000000  }
0x3: {  	_ = 	snop  }
0x4: {  	_ = 	snop  }
0x5: {  	_ = 	snop  }
0x6: {  	_ = 	snop  }
0x7: {  	_ = 	snop  }
__scs_overlays_trampoline_lowered:
0x8: {  	[smem:$0x3FAC] =	sst s0  }
0x9: {  	[smem:$0x3FAD] =	sst s1  }
0xa: {  	[smem:$0x3FAE] =	sst s2  }
0xb: {  	[smem:$0x3FAF] =	sst s3  }
0xc: {  	[smem:$0x3FB0] =	sst s4  }
0xd: {  	[smem:$0x3FB1] =	sst s5  }
0xe: {  	[smem:$0x3FB2] =	sst s6  }
0xf: {  	[smem:$0x3FB3] =	sst s7  }
0x10: {  	[smem:$0x3FB4] =	sst s8  }
0x11: {  	[smem:$0x3FB5] =	sst s9;
	s0 =	simm.s32 @!p0 $0x0  }
0x12: {  	s1 =	sld [smem:$0x3F9B];
	s0 =	simm.s32 @p0 $0x1  }
0x13: {  	[smem:$0x3FB6] =	sst s0;
	s0 =	simm.s32 @!p1 $0x0  }
0x14: {  	s2 =	sld [smem:$0x3F9A];
	s0 =	simm.s32 @p1 $0x1  }
0x15: {  	[smem:$0x3FB7] =	sst s0;
	s0 =	simm.s32 @!p2 $0x0  }
0x16: {  	s3 =	sld [smem:$0x3FDB];
	s0 =	simm.s32 @p2 $0x1  }
0x17: {  	s4 =	simm.s32 $0x1BF5;
	[smem:$0x3FB9] =	sst s0  }
0x18: {  	s0 =	sld [smem:$0x3F9C];
	_ =	swait.ge [sflag:s4], $0x0  }
0x19: {  	s7 =	sld [smem:$0x3F9D]  }
0x1a: {  	s8 =	sadd.s32 $0xFFFFE003, lr  }
0x1b: {  	s9 =	sadd.s32 $0xFFFFFEF7, lr;
	s5 =	simm.s32 $0xFFFFFFFF;
	p2 =	slt.u32 s8, $0xFFFFF086  }
0x1c: {  	p1 =	slt.u32 s9, $0xF7A;
	s5 =	simm.s32 @!p2 $0x0  }
0x1d: {  	s5 =	simm.s32 @p1 $0x1;
	p0 =	seq.s32 s7, s2  }
0x1e: {  	s7 =	smul.u32 @!p0 $0xF7A, s2;
	p2 =	seq.s32 @!p0 s5, $0x0  }
0x1f: {  	s9 =	smul.u32 $0xF7A, s1;
	s8 =	simm.s32 @!p0 $0x1BF5;
	p2 =	por !p2, p0  }
0x20: {  	[sflag:s8] =	ssyncset.s32 @!p0 $0xFFFFF086;
	s6 =	sadd.s32 @!p0 s3, s7;
	s7 =	simm.s32 @!p0 $0x108  }
0x21: {  	s3 =	sadd.s32 s3, s9;
	s6 =	sadd.s32 @!p0 $0x88, s6;
	s7 =	simm.s32 @p2 $0x1082  }
0x22: {  	[simem:s7], [sflag:s8] =	dma.local @!p0 [hbm:s6], $0xF7A  }
0x23: {  	s9 =	sor.u32 $0xD0000000, s2;
	s6 =	simm.s32 $0x108;
	_ =	swait.ge @!p0 [sflag:s8], $0x0  }
0x24: {  	s3 =	sadd.s32 $0x88, s3;
	s6 =	simm.s32 @!p1 $0x1082;
	[sflag:s4] =	ssyncset.s32 $0xFFFFF086  }
0x25: {  	[simem:s6], [sflag:s4] =	dma.local [hbm:s3], $0xF7A  }
0x26: {  	[smem:$0x3F9D] =	sst s1;
	(tag) =	ssettag s2;
	_ =	strace s9  }
0x27: {  	s1 =	sld [smem:$0x3FAD]  }
0x28: {  	s2 =	sld [smem:$0x3FAE]  }
0x29: {  	s4 =	sld [smem:$0x3FB0]  }
0x2a: {  	p0 =	seq.s32 s5, $0x0;
	s5 =	sld [smem:$0x3FB1]  }
0x2b: {  	s6 =	sld [smem:$0x3FB2]  }
0x2c: {  	s7 =	sld [smem:$0x3FB3]  }
0x2d: {  	s3 =	simm.s32 $0x108;
	s8 =	sld [smem:$0x3FB4]  }
0x2e: {  	s3 =	simm.s32 @!p0 $0x1082;
	s9 =	sld [smem:$0x3FB5]  }
0x2f: {  	lr =	sadd.s32 s0, s3;
	s0 =	sld [smem:$0x3FAC]  }
0x30: {  	s3 =	sld [smem:$0x3FAF]  }
0x31: {  	[smem:$0x3FB8] =	sst s10  }
0x32: {  	s10 =	sld [smem:$0x3FB6];
	_ =	sdelay $0x3  }
0x33: {  	p0 =	seq.s32 s10, $0x1;
	s10 =	sld [smem:$0x3FB8];
	_ =	sdelay $0x3  }
0x34: {  	[smem:$0x3FB8] =	sst s10  }
0x35: {  	s10 =	sld [smem:$0x3FB7];
	_ =	sdelay $0x3  }
0x36: {  	p1 =	seq.s32 s10, $0x1;
	s10 =	sld [smem:$0x3FB8];
	_ =	sdelay $0x3  }
0x37: {  	[smem:$0x3FB8] =	sst s10  }
0x38: {  	s10 =	sld [smem:$0x3FB9]  }
0x39: {  	_ = 	snop;
	(pc) =	sbr.ind lr, $3  }
0x3a: {  	_ = 	snop  }
0x3b: {  	_ = 	snop  }
0x3c: {  	p2 =	seq.s32 s10, $0x1;
	s10 =	sld [smem:$0x3FB8]  }
0x3d: {  	_ =	shalt  }
0x3e: {  	_ =	shalt  }
0x3f: {  	_ =	shalt  }
0x40: {  	_ =	shalt  }
0x41: {  	_ =	shalt  }
0x42: {  	_ =	shalt  }
0x43: {  	_ =	shalt  }
0x44: {  	_ =	shalt  }
0x45: {  	_ =	shalt  }
0x46: {  	_ =	shalt  }
0x47: {  	_ =	shalt  }
0x48: {  	_ =	shalt  }
0x49: {  	_ =	shalt  }
0x4a: {  	_ =	shalt  }
0x4b: {  	_ =	shalt  }
0x4c: {  	_ =	shalt  }
0x4d: {  	_ =	shalt  }
0x4e: {  	_ =	shalt  }
0x4f: {  	_ =	shalt  }
0x50: {  	_ =	shalt  }
0x51: {  	_ =	shalt  }
0x52: {  	_ =	shalt  }
0x53: {  	_ =	shalt  }
0x54: {  	_ =	shalt  }
0x55: {  	_ =	shalt  }
0x56: {  	_ =	shalt  }
0x57: {  	_ =	shalt  }
0x58: {  	_ =	shalt  }
0x59: {  	_ =	shalt  }
0x5a: {  	_ =	shalt  }
0x5b: {  	_ =	shalt  }
0x5c: {  	_ =	shalt  }
0x5d: {  	_ =	shalt  }
0x5e: {  	_ =	shalt  }
0x5f: {  	_ =	shalt  }
0x60: {  	_ =	shalt  }
0x61: {  	_ =	shalt  }
0x62: {  	_ =	shalt  }
0x63: {  	_ =	shalt  }
0x64: {  	_ =	shalt  }
0x65: {  	_ =	shalt  }
0x66: {  	_ =	shalt  }
0x67: {  	_ =	shalt  }
0x68: {  	_ =	shalt  }
0x69: {  	_ =	shalt  }
0x6a: {  	_ =	shalt  }
0x6b: {  	_ =	shalt  }
0x6c: {  	_ =	shalt  }
0x6d: {  	_ =	shalt  }
0x6e: {  	_ =	shalt  }
0x6f: {  	_ =	shalt  }
0x70: {  	_ =	shalt  }
0x71: {  	_ =	shalt  }
0x72: {  	_ =	shalt  }
0x73: {  	_ =	shalt  }
0x74: {  	_ =	shalt  }
0x75: {  	_ =	shalt  }
0x76: {  	_ =	shalt  }
0x77: {  	_ =	shalt  }
0x78: {  	_ =	shalt  }
0x79: {  	_ =	shalt  }
0x7a: {  	_ =	shalt  }
0x7b: {  	_ =	shalt  }
0x7c: {  	_ =	shalt  }
0x7d: {  	_ =	shalt  }
0x7e: {  	_ =	shalt  }
0x7f: {  	_ =	shalt  }
0x80: {  	_ =	shalt  }
0x81: {  	_ =	shalt  }
0x82: {  	_ =	shalt  }
0x83: {  	_ =	shalt  }
0x84: {  	_ =	shalt  }
0x85: {  	_ =	shalt  }
0x86: {  	_ =	shalt  }
0x87: {  	_ =	shalt  }
.Lfunc_end0:
.L_simem_size_0:
called_computation_lowered:
.L_overlay_start_0:
0x88: {  	s2 =	sld [smem:$0x3FD9]  }
0x89: {  	s3 =	sld [smem:$0x3FFE];
	_ =	sdelay $0x1  }
0x8a: {  	s1 =	srdreg.scid  }
0x8b: {  	s0 =	sand.u32 $0x1, s1  }
0x8c: {  	s16 =	sshll.u32 s0, $0xA;
	s2 =	sadd.s32 s3, s2  }
0x8d: {  	s2 =	sadd.s32 s2, s16  }
0x8e: {  	[smem:$0x3FC4] =	sst s2  }
0x8f: {  	_ = 	snop  }
0x90: {  	(tm) =	ssettm $0x1  }
0x91: {  	s17 =	sld [smem:$0x3FFB];
	_ =	sdelay $0x3  }
0x92: {  	_ =	strace s17  }
0x93: {  	s2 =	sld [smem:$0x3FFC];
	_ =	sdelay $0x3  }
0x94: {  	_ =	strace s2  }
0x95: {  	s2 =	sld [smem:$0x3FFD];
	_ =	sdelay $0x3  }
0x96: {  	_ =	strace s2  }
0x97: {  	_ =	strace $0x8FFFFFFF  }
0x98: {  	s18 =	sld [smem:$0x3FDB];
	_ =	sdelay $0x1  }
0x99: {  	s19 =	simm.s32 $_scs_section_size  }
0x9a: {  	s4 =	simm.s32 $_size__tile_overlayer_lowered;
	s5 =	simm.s32 $_tile_overlayer_lowered  }
0x9b: {  	s22 =	simm.s32 $0x1BFF;
	s21 =	sshll.u32 s5, $0x1;
	s2 =	sadd.s32 s19, s18  }
0x9c: {  	s6 =	simm.s32 $0x0;
	s20 =	sshll.u32 s4, $0x1;
	s4 =	sadd.s32 s21, s2  }
0x9d: {  	[timem:s6], [sflag:s22] =	dma.local [hbm:s4], s20  }
0x9e: {  	_ =	swait.ge [sflag:s22], s20  }
0x9f: {  	s3 =	ssub.s32 $0x0, s20;
	[sflag:s22] =	ssyncset.done $0x0  }
0xa0: {  	[sflag:s22] =	ssyncadd.s32 s3;
	_ =	sdelay $0x1  }
0xa1: {  	s23 =	simm.s32 $0x1B8B  }
0xa2: {  	_ =	swait.ge [sflag:s23], $0x1  }
0xa3: {  	[sflag:s23] =	ssyncset.done $0x0  }
0xa4: {  	s25 =	simm.s32 $0x1B8E;
	s24 =	sld [smem:$0x3FFE];
	[sflag:s23] =	ssyncadd.s32 $0xFFFFFFFF  }
0xa5: {  	s26 =	simm.s32 $execute0_lowered;
	[smem:$0x3FD2] =	sst s25  }
0xa6: {  	s4 =	sshll.u32 s26, $0x1;
	_ =	strace $0x80000046;
	[dreg:$0x1] =	wrdreg $0xFFFFFFFF  }
0xa7: {  	s28 =	simm.s32 $_size_execute0_lowered;
	s2 =	sadd.s32 s2, s4;
	[dreg:$0x0] =	wrdreg $0x0  }
0xa8: {  	s4 =	sshll.u32 s28, $0x1;
	[dreg:$0x2] =	wrdreg s2  }
0xa9: {  	[dreg:$0x3] =	wrdreg s4  }
0xaa: {  	[dreg:$0x4] =	wrdreg $0xC0  }
0xab: {  	_ =	task [dreg:s6], $0x5FFFF  }
0xac: {  	[dreg:$0x1] =	wrdreg $0xFFFFFFFF  }
0xad: {  	[dreg:$0x0] =	wrdreg $0x60  }
0xae: {  	[dreg:$0x2] =	wrdreg s24  }
0xaf: {  	[dreg:$0x3] =	wrdreg $0x0  }
0xb0: {  	[dreg:$0x4] =	wrdreg $0x9  }
0xb1: {  	_ =	task.clear_ibuf [dreg:s6], $0x5FFFF;
	_ =	strace $0x90000046  }
0xb2: {  	s29 =	simm.s32 $0x9;
	_ =	strace $0x80000048  }
0xb3: {  	_ =	swait.ge [sflag:s29], $0x1  }
0xb4: {  	[sflag:s29] =	ssyncadd.s32 $0xFFFFFFFF  }
0xb5: {  	_ =	strace $0x90000048  }
0xb6: {  	_ =	sfence  }
0xb7: {  	s30 =	sld [smem:$0x0];
	_ =	sdelay $0x2  }
0xb8: {  	s31 =	sshll.u32 s1, $0xD;
	s1 =	sshrl.u32 s1, $0x2  }
0xb9: {  	s3 =	sand.u32 $0x4000, s31;
	s1 =	sadd.s32 s1, s30  }
0xba: {  	s0 =	sor.u32 s3, s0;
	s1 =	sshll.u32 s1, $0x11  }
0xbb: {  	s0 =	sor.u32 s1, s0  }
0xbc: {  	s0 =	sadd.s32 $0x8F2B, s0  }
0xbd: {  	[sflag:s0] =	ssyncadd.remote.s32 $0x1  }
0xbe: {  	_ =	sfence.sel $0xFFFF  }
0xbf: {  	[dreg:$0x0] =	wrdreg $0xFFFFFFFF;
	(pc) =	sbr.abs _section_cstart, $3  }
0xc0: {  	[dreg:$0x1] =	wrdreg $0xFFFFFFFF  }
0xc1: {  	_ =	task.clear_ibuf [dreg:s6], $0x2FFFF;
	_ =	strace $0x9FFFFFFF  }
0xc2: {  	(tm) =	ssettm $0x7FFFFFFF  }
0xc3: {  	_ =	shalt  }
tec
execute0_lowered:
.L_overlay_start_1:
0x0: {  	(tag) =	ssettag $0x1  }
0x1: {  	s5 =	rddreg [dreg:$0x0]  }
0x2: {  	s1 =	rddreg [dreg:$0x1]  }
0x3: {  	s2 =	srdreg.scid;
	s0 =	rddreg [dreg:$0x2]  }
0x4: {  	s3 =	simm.s32 $0x0;
	s13 =	simm.s32 $0x2800;
	s14 =	simm.s32 $0x1  }
0x5: {  	s15 =	simm.s32 $0x2880;
	s16 =	simm.s32 $0x80;
	s6 =	sand.u32 $0x1, s2  }
0x6: {  	s17 =	simm.s32 $0x2900;
	s2 =	stileid.u32;
	s7 =	smul.u32 $0x140000, s6  }
0x7: {  	s18 =	simm.s32 $0x2;
	s19 =	simm.s32 $0x0;
	s8 =	smul.u32 $0x14000, s2  }
0x8: {  	[smem:$0x7FF] =	sst s3;
	s4 =	sadd.s32 $0x1C00, s5;
	s29 =	smul.u32 $0x50000, s2  }
0x9: {  	_ =	strace $0x80000047;
	s9 =	sshll.u32 s2, $0x1;
	s11 =	smul.u32 $0xA00, s2  }
0xa: {  	s10 =	ssub.s32 $0x2, s6;
	s12 =	smul.u32 $0x500, s6;
	s28 =	sor.u32 s6, s9  }
0xb: {  	s30 =	sshrl.u32 s10, $0x1;
	s7 =	sadd.s32 s8, s7;
	s8 =	smul.u32 $0x500, s28  }
0xc: {  	s10 =	ssub.s32 s10, s30;
	s31 =	sshrl.u32 s29, $0x2;
	s7 =	sshrl.u32 s7, $0x3  }
0xd: {  	s7 =	sadd.s32 s7, s5;
	s5 =	sadd.s32 s31, s1;
	s6 =	sadd.s32 s4, s8  }
0xe: {  	v0 =	vimm.f32 $0.0e+00;
	vm0 =	vcmask $0x300;
	s8 =	smax.u32 s10, $0x1;
	s10 =	sadd.s32 s12, s11;
	s11 =	simm.s32 $0x6900  }
0xf: {  	v1 =	vsel vm0, $0x3F800000, v0;
	s12 =	simm.s32 $0x3;
	s7 =	sadd.s32 $0x15C00, s7;
	s9 =	sadd.s32 $0x4F0, s6  }
.LBB2_1:
0x10: {  	s20 =	simm.s32 $0x0  }
.LBB2_2:
0x11: {  	p0 =	sne.s32 s20, $0x4FE00  }
.Ltmp0:
0x12: {  	_ = 	snop;
	(pc) =	sbr.rel @p0 .LBB2_2-.Ltmp0, $3  }
0x13: {  	_ =	sdelay $0x1  }
0x14: {  	s21 =	sshra.s32 s20, $0x2  }
0x15: {  	s20 =	sadd.s32 $0x200, s20;
	[tilespmem:s21+$0x6900] =	vst v0  }
0x16: {  	s20 =	simm.s32 $0x200;
	s21 =	simm.s32 $0x0  }
.LBB2_4:
0x17: {  	p0 =	sne.s32 s20, $0xFE00;
	[tilespmem:s21+$0x2900] =	vst v1;
	s21 =	smov.u32 s20;
	s20 =	sadd.s32 $0x200, s20  }
.Ltmp1:
0x18: {  	(pc) =	sbr.rel @p0 .LBB2_4-.Ltmp1, $2  }
0x19: {  	_ =	sdelay $0x2  }
0x1a: {  	s21 =	sshra.s32 s21, $0x2  }
0x1b: {  	[tilespmem:s21+$0x2900] =	vst v1  }
0x1c: {  	[spmem:s5] =	stream.linear.scatter [tilespmem:s11], [sflag:$0x3], $0x14000, $0x38;
	[tilespmem:$0x1A900] =	vst v63  }
0x1d: {  	_ =	swait.ge [sflag:s12], $0x14000  }
0x1e: {  	[sflag:s12] =	ssyncset.done $0x0  }
0x1f: {  	[sflag:s12] =	ssyncadd.s32 $0xFFFEC000  }
0x20: {  	s20 =	simm.s32 $0x0;
	[bflag:$0x0] =	sbarrier.arrive $0xFFFF  }
0x21: {  	[tilespmem:s13], [sflag:$0x1] =	stream.linear.gather [hbm4b:s6+s20], $0x80, $0x38;
	[tilespmem:$0x1A900] =	vst v63  }
0x22: {  	s30 =	sadd.s32 $0x0, s10;
	s20 =	sand.u32 $0x60, s20  }
0x23: {  	s22 =	sand.u32 $0xFFFFF80, s30;
	_ =	swait.ge [sflag:s14], $0x80;
	s20 =	sadd.s32 s20, s4  }
0x24: {  	[sflag:s14] =	ssyncset.done $0x0;
	s20 =	sadd.s32 s22, s20  }
0x25: {  	[sflag:s14] =	ssyncadd.s32 $0xFFFFFF80;
	s20 =	sadd.s32 $0x10, s20  }
0x26: {  	[tilespmem:s15], [sflag:$0x2] =	stream.linear.gather [hbm4b:s20+s3], $0x80, $0x38;
	[tilespmem:$0x1A900] =	vst v63  }
0x27: {  	_ = 	snop  }
0x28: {  	[spmem:s1] =	stream.indirect.scatter.add.f32 [tilespmem:s17], [sflag:$0x3], $0x10, s13, s16, $0xb8;
	[tilespmem:$0x1A900] =	vst v63  }
0x29: {  	_ =	swait.ge [sflag:s12], $0x800  }
0x2a: {  	[sflag:s12] =	ssyncset.done $0x0  }
0x2b: {  	s20 =	simm.s32 $0x20;
	[sflag:s12] =	ssyncadd.s32 $0xFFFFF800  }
0x2c: {  	s21 =	sadd.s32 $0x20, s30;
	s31 =	sand.u32 $0x70, s20;
	_ =	swait.ge [sflag:s18], $0x80  }
0x2d: {  	s21 =	sand.u32 $0xFFFFF80, s21;
	s22 =	sadd.s32 s4, s31;
	[sflag:s18] =	ssyncset.done $0x0  }
0x2e: {  	s21 =	sadd.s32 s21, s22;
	[sflag:s18] =	ssyncadd.s32 $0xFFFFFF80  }
0x2f: {  	[tilespmem:s13], [sflag:$0x1] =	stream.linear.gather [hbm4b:s21+s3], $0x80, $0x38;
	[tilespmem:$0x1A900] =	vst v63  }
0x30: {  	_ = 	snop  }
0x31: {  	[spmem:s1] =	stream.indirect.scatter.add.f32 [tilespmem:s17], [sflag:$0x3], $0x10, s15, s16, $0xb8;
	[tilespmem:$0x1A900] =	vst v63  }
0x32: {  	_ =	swait.ge [sflag:s12], $0x800  }
0x33: {  	[sflag:s12] =	ssyncset.done $0x0  }
.LBB2_6:
0x34: {  	p0 =	sne.s32 s20, $0x4C0  }
0x35: {  	[sflag:s12] =	ssyncadd.s32 $0xFFFFF800;
	s21 =	smov.u32 s20;
	s20 =	sadd.s32 $0x20, s20  }
0x36: {  	s22 =	sadd.s32 s21, s10;
	s21 =	sand.u32 $0x60, s21;
	s23 =	sand.u32 $0x70, s20  }
0x37: {  	_ =	swait.ge [sflag:s14], $0x80;
	s24 =	sand.u32 $0xFFFFF80, s22;
	s21 =	sadd.s32 s21, s4  }
0x38: {  	s22 =	sadd.s32 $0x20, s22;
	[sflag:s14] =	ssyncset.done $0x0;
	s21 =	sadd.s32 s24, s21  }
0x39: {  	s22 =	sand.u32 $0xFFFFF80, s22;
	[sflag:s14] =	ssyncadd.s32 $0xFFFFFF80;
	s21 =	sadd.s32 $0x10, s21  }
0x3a: {  	[tilespmem:s15], [sflag:$0x2] =	stream.linear.gather [hbm4b:s21+s3], $0x80, $0x38;
	[tilespmem:$0x1A900] =	vst v63  }
0x3b: {  	_ = 	snop  }
0x3c: {  	[spmem:s1] =	stream.indirect.scatter.add.f32 [tilespmem:s17], [sflag:$0x3], $0x10, s13, s16, $0xb8;
	[tilespmem:$0x1A900] =	vst v63  }
0x3d: {  	_ =	swait.ge [sflag:s12], $0x800  }
0x3e: {  	[sflag:s12] =	ssyncset.done $0x0  }
0x3f: {  	[sflag:s12] =	ssyncadd.s32 $0xFFFFF800  }
0x40: {  	_ =	swait.ge [sflag:s18], $0x80  }
0x41: {  	s21 =	sadd.s32 s4, s23;
	[sflag:s18] =	ssyncset.done $0x0  }
0x42: {  	s21 =	sadd.s32 s22, s21;
	[sflag:s18] =	ssyncadd.s32 $0xFFFFFF80  }
0x43: {  	[tilespmem:s13], [sflag:$0x1] =	stream.linear.gather [hbm4b:s21+s3], $0x80, $0x38;
	[tilespmem:$0x1A900] =	vst v63  }
.Ltmp2:
0x44: {  	_ = 	snop;
	(pc) =	sbr.rel @p0 .LBB2_6-.Ltmp2, $4  }
0x45: {  	_ = 	snop  }
0x46: {  	[spmem:s1] =	stream.indirect.scatter.add.f32 [tilespmem:s17], [sflag:$0x3], $0x10, s15, s16, $0xb8;
	[tilespmem:$0x1A900] =	vst v63  }
0x47: {  	_ =	swait.ge [sflag:s12], $0x800  }
0x48: {  	[sflag:s12] =	ssyncset.done $0x0  }
0x49: {  	[sflag:s12] =	ssyncadd.s32 $0xFFFFF800  }
0x4a: {  	_ =	swait.ge [sflag:s14], $0x80  }
0x4b: {  	[sflag:s14] =	ssyncset.done $0x0  }
0x4c: {  	[sflag:s14] =	ssyncadd.s32 $0xFFFFFF80  }
0x4d: {  	[tilespmem:s15], [sflag:$0x2] =	stream.linear.gather [hbm4b:s9+s3], $0x80, $0x38;
	[tilespmem:$0x1A900] =	vst v63  }
0x4e: {  	_ = 	snop  }
0x4f: {  	[spmem:s1] =	stream.indirect.scatter.add.f32 [tilespmem:s17], [sflag:$0x3], $0x10, s13, s16, $0xb8;
	[tilespmem:$0x1A900] =	vst v63  }
0x50: {  	_ =	swait.ge [sflag:s12], $0x800  }
0x51: {  	[sflag:s12] =	ssyncset.done $0x0  }
0x52: {  	[sflag:s12] =	ssyncadd.s32 $0xFFFFF800  }
0x53: {  	_ =	swait.ge [sflag:s18], $0x80  }
0x54: {  	[sflag:s18] =	ssyncset.done $0x0  }
0x55: {  	[sflag:s18] =	ssyncadd.s32 $0xFFFFFF80  }
0x56: {  	[tilespmem:s13], [sflag:$0x1] =	stream.linear.gather [hbm4b:s9+s3], $0x80, $0x38;
	[tilespmem:$0x1A900] =	vst v63  }
0x57: {  	_ = 	snop  }
0x58: {  	[spmem:s1] =	stream.indirect.scatter.add.f32 [tilespmem:s17], [sflag:$0x3], $0x10, s15, s16, $0xb8;
	[tilespmem:$0x1A900] =	vst v63  }
0x59: {  	_ =	swait.ge [sflag:s12], $0x800  }
0x5a: {  	[sflag:s12] =	ssyncset.done $0x0  }
0x5b: {  	[sflag:s12] =	ssyncadd.s32 $0xFFFFF800  }
0x5c: {  	_ =	swait.ge [sflag:s14], $0x80  }
0x5d: {  	[sflag:s14] =	ssyncset.done $0x0  }
0x5e: {  	[sflag:s14] =	ssyncadd.s32 $0xFFFFFF80  }
0x5f: {  	[bflag:$0x0] =	sbarrier.arrive $0xFFFF  }
0x60: {  	[tilespmem:s11], [sflag:$0x3] =	stream.linear.gather [spmem:s5], $0x14000, $0x38;
	[tilespmem:$0x1A900] =	vst v63  }
0x61: {  	s19 =	sadd.s32 $0x1, s19;
	_ =	swait.ge [sflag:s12], $0x14000  }
0x62: {  	p0 =	sne.s32 s19, s8;
	[sflag:s12] =	ssyncset.done $0x0  }
.Ltmp3:
0x63: {  	[sflag:s12] =	ssyncadd.s32 $0xFFFEC000;
	(pc) =	sbr.rel @p0 .LBB2_1-.Ltmp3, $4  }
0x64: {  	[hbm4b:s7+s3] =	stream.linear.scatter [tilespmem:s11], [sflag:$0x3], $0x14000, $0x38;
	[tilespmem:$0x1A900] =	vst v63  }
0x65: {  	_ =	swait.ge [sflag:s12], $0x14000  }
0x66: {  	[sflag:s12] =	ssyncset.done $0x0  }
0x67: {  	[sflag:s12] =	ssyncadd.s32 $0xFFFEC000  }
0x68: {  	_ =	sfence.sel $0x180000  }
0x69: {  	[bflag:$0x0] =	sbarrier.arrive $0xFFFF  }
0x6a: {  	p0 =	sne.s32 s2, $0x0;
	_ =	strace $0x90000047  }
0x6b: {  	s0 =	sadd.s32 @!p0 $0x100000, s0;
	[bflag:$0x2] =	sbarrier.arrive $0xFFFF  }
0x6c: {  	[sflag:s0] =	ssyncadd.tile.s32 @!p0 $0x1;
	_ =	shalt  }
.Lfunc_end2:
_tile_overlayer_lowered:
.L_overlay_start_2:
0x6d: {  	(tag) =	ssettag $0x2  }
0x6e: {  	s0 =	rddreg [dreg:$0x0];
	s2 =	stileid.u32  }
0x6f: {  	s1 =	rddreg [dreg:$0x1];
	p0 =	sne.s32 s2, $0x0  }
0x70: {  	s3 =	rddreg [dreg:$0x2];
	[bflag:$0x3] =	sbarrier.arrive $0xFFFF;
	s2 =	simm.s32 @!p0 $0x1C03  }
0x71: {  	[timem:s3], [sflag:s2] =	dma.local @!p0 [hbm:s0], s1  }
0x72: {  	s0 =	simm.s32 @!p0 $0x3  }
0x73: {  	_ =	swait.ge @!p0 [sflag:s0], s1  }
0x74: {  	s1 =	ssub.s32 @!p0 $0x0, s1;
	[sflag:s0] =	ssyncset.done @!p0 $0x0  }
0x75: {  	[sflag:s0] =	ssyncadd.s32 @!p0 s1  }
0x76: {  	[bflag:$0x3] =	sbarrier.arrive $0xFFFF  }
0x77: {  	_ =	shalt  }

// kernel: kernel.9.cloned.1.call-start
scs
__scs_entry_jumppad:
0x0: {  	(pc) =	sbr.rel $0x88, $3  }
0x1: {  	(tag) =	ssettag $0x0;
	lr =	simm.s32 $0x1  }
0x2: {  	[smem:$0x3F9D] =	sst lr;
	_ =	strace $0xD0000000  }
0x3: {  	_ = 	snop  }
0x4: {  	_ = 	snop  }
0x5: {  	_ = 	snop  }
0x6: {  	_ = 	snop  }
0x7: {  	_ = 	snop  }
__scs_overlays_trampoline_lowered:
0x8: {  	[smem:$0x3FAC] =	sst s0  }
0x9: {  	[smem:$0x3FAD] =	sst s1  }
0xa: {  	[smem:$0x3FAE] =	sst s2  }
0xb: {  	[smem:$0x3FAF] =	sst s3  }
0xc: {  	[smem:$0x3FB0] =	sst s4  }
0xd: {  	[smem:$0x3FB1] =	sst s5  }
0xe: {  	[smem:$0x3FB2] =	sst s6  }
0xf: {  	[smem:$0x3FB3] =	sst s7  }
0x10: {  	[smem:$0x3FB4] =	sst s8  }
0x11: {  	[smem:$0x3FB5] =	sst s9;
	s0 =	simm.s32 @!p0 $0x0  }
0x12: {  	s1 =	sld [smem:$0x3F9B];
	s0 =	simm.s32 @p0 $0x1  }
0x13: {  	[smem:$0x3FB6] =	sst s0;
	s0 =	simm.s32 @!p1 $0x0  }
0x14: {  	s2 =	sld [smem:$0x3F9A];
	s0 =	simm.s32 @p1 $0x1  }
0x15: {  	[smem:$0x3FB7] =	sst s0;
	s0 =	simm.s32 @!p2 $0x0  }
0x16: {  	s3 =	sld [smem:$0x3FDB];
	s0 =	simm.s32 @p2 $0x1  }
0x17: {  	s4 =	simm.s32 $0x1BF5;
	[smem:$0x3FB9] =	sst s0  }
0x18: {  	s0 =	sld [smem:$0x3F9C];
	_ =	swait.ge [sflag:s4], $0x0  }
0x19: {  	s7 =	sld [smem:$0x3F9D]  }
0x1a: {  	s8 =	sadd.s32 $0xFFFFE003, lr  }
0x1b: {  	s9 =	sadd.s32 $0xFFFFFEF7, lr;
	s5 =	simm.s32 $0xFFFFFFFF;
	p2 =	slt.u32 s8, $0xFFFFF086  }
0x1c: {  	p1 =	slt.u32 s9, $0xF7A;
	s5 =	simm.s32 @!p2 $0x0  }
0x1d: {  	s5 =	simm.s32 @p1 $0x1;
	p0 =	seq.s32 s7, s2  }
0x1e: {  	s7 =	smul.u32 @!p0 $0xF7A, s2;
	p2 =	seq.s32 @!p0 s5, $0x0  }
0x1f: {  	s9 =	smul.u32 $0xF7A, s1;
	s8 =	simm.s32 @!p0 $0x1BF5;
	p2 =	por !p2, p0  }
0x20: {  	[sflag:s8] =	ssyncset.s32 @!p0 $0xFFFFF086;
	s6 =	sadd.s32 @!p0 s3, s7;
	s7 =	simm.s32 @!p0 $0x108  }
0x21: {  	s3 =	sadd.s32 s3, s9;
	s6 =	sadd.s32 @!p0 $0x88, s6;
	s7 =	simm.s32 @p2 $0x1082  }
0x22: {  	[simem:s7], [sflag:s8] =	dma.local @!p0 [hbm:s6], $0xF7A  }
0x23: {  	s9 =	sor.u32 $0xD0000000, s2;
	s6 =	simm.s32 $0x108;
	_ =	swait.ge @!p0 [sflag:s8], $0x0  }
0x24: {  	s3 =	sadd.s32 $0x88, s3;
	s6 =	simm.s32 @!p1 $0x1082;
	[sflag:s4] =	ssyncset.s32 $0xFFFFF086  }
0x25: {  	[simem:s6], [sflag:s4] =	dma.local [hbm:s3], $0xF7A  }
0x26: {  	[smem:$0x3F9D] =	sst s1;
	(tag) =	ssettag s2;
	_ =	strace s9  }
0x27: {  	s1 =	sld [smem:$0x3FAD]  }
0x28: {  	s2 =	sld [smem:$0x3FAE]  }
0x29: {  	s4 =	sld [smem:$0x3FB0]  }
0x2a: {  	p0 =	seq.s32 s5, $0x0;
	s5 =	sld [smem:$0x3FB1]  }
0x2b: {  	s6 =	sld [smem:$0x3FB2]  }
0x2c: {  	s7 =	sld [smem:$0x3FB3]  }
0x2d: {  	s3 =	simm.s32 $0x108;
	s8 =	sld [smem:$0x3FB4]  }
0x2e: {  	s3 =	simm.s32 @!p0 $0x1082;
	s9 =	sld [smem:$0x3FB5]  }
0x2f: {  	lr =	sadd.s32 s0, s3;
	s0 =	sld [smem:$0x3FAC]  }
0x30: {  	s3 =	sld [smem:$0x3FAF]  }
0x31: {  	[smem:$0x3FB8] =	sst s10  }
0x32: {  	s10 =	sld [smem:$0x3FB6];
	_ =	sdelay $0x3  }
0x33: {  	p0 =	seq.s32 s10, $0x1;
	s10 =	sld [smem:$0x3FB8];
	_ =	sdelay $0x3  }
0x34: {  	[smem:$0x3FB8] =	sst s10  }
0x35: {  	s10 =	sld [smem:$0x3FB7];
	_ =	sdelay $0x3  }
0x36: {  	p1 =	seq.s32 s10, $0x1;
	s10 =	sld [smem:$0x3FB8];
	_ =	sdelay $0x3  }
0x37: {  	[smem:$0x3FB8] =	sst s10  }
0x38: {  	s10 =	sld [smem:$0x3FB9]  }
0x39: {  	_ = 	snop;
	(pc) =	sbr.ind lr, $3  }
0x3a: {  	_ = 	snop  }
0x3b: {  	_ = 	snop  }
0x3c: {  	p2 =	seq.s32 s10, $0x1;
	s10 =	sld [smem:$0x3FB8]  }
0x3d: {  	_ =	shalt  }
0x3e: {  	_ =	shalt  }
0x3f: {  	_ =	shalt  }
0x40: {  	_ =	shalt  }
0x41: {  	_ =	shalt  }
0x42: {  	_ =	shalt  }
0x43: {  	_ =	shalt  }
0x44: {  	_ =	shalt  }
0x45: {  	_ =	shalt  }
0x46: {  	_ =	shalt  }
0x47: {  	_ =	shalt  }
0x48: {  	_ =	shalt  }
0x49: {  	_ =	shalt  }
0x4a: {  	_ =	shalt  }
0x4b: {  	_ =	shalt  }
0x4c: {  	_ =	shalt  }
0x4d: {  	_ =	shalt  }
0x4e: {  	_ =	shalt  }
0x4f: {  	_ =	shalt  }
0x50: {  	_ =	shalt  }
0x51: {  	_ =	shalt  }
0x52: {  	_ =	shalt  }
0x53: {  	_ =	shalt  }
0x54: {  	_ =	shalt  }
0x55: {  	_ =	shalt  }
0x56: {  	_ =	shalt  }
0x57: {  	_ =	shalt  }
0x58: {  	_ =	shalt  }
0x59: {  	_ =	shalt  }
0x5a: {  	_ =	shalt  }
0x5b: {  	_ =	shalt  }
0x5c: {  	_ =	shalt  }
0x5d: {  	_ =	shalt  }
0x5e: {  	_ =	shalt  }
0x5f: {  	_ =	shalt  }
0x60: {  	_ =	shalt  }
0x61: {  	_ =	shalt  }
0x62: {  	_ =	shalt  }
0x63: {  	_ =	shalt  }
0x64: {  	_ =	shalt  }
0x65: {  	_ =	shalt  }
0x66: {  	_ =	shalt  }
0x67: {  	_ =	shalt  }
0x68: {  	_ =	shalt  }
0x69: {  	_ =	shalt  }
0x6a: {  	_ =	shalt  }
0x6b: {  	_ =	shalt  }
0x6c: {  	_ =	shalt  }
0x6d: {  	_ =	shalt  }
0x6e: {  	_ =	shalt  }
0x6f: {  	_ =	shalt  }
0x70: {  	_ =	shalt  }
0x71: {  	_ =	shalt  }
0x72: {  	_ =	shalt  }
0x73: {  	_ =	shalt  }
0x74: {  	_ =	shalt  }
0x75: {  	_ =	shalt  }
0x76: {  	_ =	shalt  }
0x77: {  	_ =	shalt  }
0x78: {  	_ =	shalt  }
0x79: {  	_ =	shalt  }
0x7a: {  	_ =	shalt  }
0x7b: {  	_ =	shalt  }
0x7c: {  	_ =	shalt  }
0x7d: {  	_ =	shalt  }
0x7e: {  	_ =	shalt  }
0x7f: {  	_ =	shalt  }
0x80: {  	_ =	shalt  }
0x81: {  	_ =	shalt  }
0x82: {  	_ =	shalt  }
0x83: {  	_ =	shalt  }
0x84: {  	_ =	shalt  }
0x85: {  	_ =	shalt  }
0x86: {  	_ =	shalt  }
0x87: {  	_ =	shalt  }
.Lfunc_end0:
.L_simem_size_0:
called_computation.1_lowered:
.L_overlay_start_0:
0x88: {  	s2 =	sld [smem:$0x3FD9]  }
0x89: {  	s3 =	sld [smem:$0x3FFE];
	_ =	sdelay $0x1  }
0x8a: {  	s1 =	srdreg.scid  }
0x8b: {  	s0 =	sand.u32 $0x1, s1  }
0x8c: {  	s17 =	sshll.u32 s0, $0xA;
	s2 =	sadd.s32 s3, s2  }
0x8d: {  	s2 =	sadd.s32 s2, s17  }
0x8e: {  	[smem:$0x3FC4] =	sst s2  }
0x8f: {  	_ = 	snop  }
0x90: {  	s2 =	sld [smem:$0x3FD0];
	(tm) =	ssettm $0x1  }
0x91: {  	s18 =	sld [smem:$0x3FFB];
	_ =	sdelay $0x3  }
0x92: {  	_ =	strace s18  }
0x93: {  	s3 =	sld [smem:$0x3FFC];
	_ =	sdelay $0x3  }
0x94: {  	_ =	strace s3  }
0x95: {  	s3 =	sld [smem:$0x3FFD];
	_ =	sdelay $0x3  }
0x96: {  	_ =	strace s3  }
0x97: {  	_ =	strace $0x8FFFFFFF  }
0x98: {  	s19 =	sld [smem:$0x3FDB];
	_ =	sdelay $0x1  }
0x99: {  	s4 =	simm.s32 $_scs_section_size  }
0x9a: {  	s5 =	simm.s32 $_size__tile_overlayer_lowered;
	s6 =	simm.s32 $_tile_overlayer_lowered  }
0x9b: {  	s22 =	simm.s32 $0x1BFF;
	s21 =	sshll.u32 s6, $0x1;
	s3 =	sadd.s32 s4, s19  }
0x9c: {  	s7 =	simm.s32 $0x0;
	s20 =	sshll.u32 s5, $0x1;
	s5 =	sadd.s32 s21, s3  }
0x9d: {  	[timem:s7], [sflag:s22] =	dma.local [hbm:s5], s20  }
0x9e: {  	_ =	swait.ge [sflag:s22], s20  }
0x9f: {  	s4 =	ssub.s32 $0x0, s20;
	[sflag:s22] =	ssyncset.done $0x0  }
0xa0: {  	[sflag:s22] =	ssyncadd.s32 s4;
	_ =	sdelay $0x1  }
0xa1: {  	s23 =	simm.s32 $0x1B8B  }
0xa2: {  	_ =	swait.ge [sflag:s23], $0x1  }
0xa3: {  	[sflag:s23] =	ssyncset.done $0x0  }
0xa4: {  	s25 =	simm.s32 $0x1B8E;
	s24 =	sld [smem:$0x3FFE];
	[sflag:s23] =	ssyncadd.s32 $0xFFFFFFFF  }
0xa5: {  	s26 =	simm.s32 $execute0_lowered;
	[smem:$0x3FD2] =	sst s25  }
0xa6: {  	s5 =	sshll.u32 s26, $0x1;
	_ =	strace $0x80000049;
	[dreg:$0x1] =	wrdreg $0xFFFFFFFF  }
0xa7: {  	s28 =	simm.s32 $_size_execute0_lowered;
	s3 =	sadd.s32 s3, s5;
	[dreg:$0x0] =	wrdreg $0x0  }
0xa8: {  	s5 =	sshll.u32 s28, $0x1;
	[dreg:$0x2] =	wrdreg s3  }
0xa9: {  	[dreg:$0x3] =	wrdreg s5  }
0xaa: {  	[dreg:$0x4] =	wrdreg $0xC0  }
0xab: {  	_ =	task [dreg:s7], $0x5FFFF  }
0xac: {  	[dreg:$0x1] =	wrdreg $0xFFFFFFFF  }
0xad: {  	[dreg:$0x0] =	wrdreg $0x60  }
0xae: {  	[dreg:$0x2] =	wrdreg s2  }
0xaf: {  	[dreg:$0x3] =	wrdreg s24  }
0xb0: {  	[dreg:$0x4] =	wrdreg $0x0  }
0xb1: {  	[dreg:$0x5] =	wrdreg $0x9  }
0xb2: {  	_ =	task.clear_ibuf [dreg:s7], $0x6FFFF;
	_ =	strace $0x90000049  }
0xb3: {  	s29 =	simm.s32 $0x9;
	_ =	strace $0x8000004B  }
0xb4: {  	_ =	swait.ge [sflag:s29], $0x1  }
0xb5: {  	[sflag:s29] =	ssyncadd.s32 $0xFFFFFFFF  }
0xb6: {  	_ =	strace $0x9000004B  }
0xb7: {  	_ =	sfence  }
0xb8: {  	s30 =	sld [smem:$0x0];
	_ =	sdelay $0x2  }
0xb9: {  	s31 =	sshll.u32 s1, $0xD;
	s1 =	sshrl.u32 s1, $0x2  }
0xba: {  	s3 =	sand.u32 $0x4000, s31;
	s1 =	sadd.s32 s1, s30  }
0xbb: {  	s0 =	sor.u32 s3, s0;
	s1 =	sshll.u32 s1, $0x11  }
0xbc: {  	s0 =	sor.u32 s1, s0  }
0xbd: {  	s0 =	sadd.s32 $0x8F2B, s0  }
0xbe: {  	[sflag:s0] =	ssyncadd.remote.s32 $0x1  }
0xbf: {  	_ =	sfence.sel $0xFFFF  }
0xc0: {  	[dreg:$0x0] =	wrdreg $0xFFFFFFFF;
	(pc) =	sbr.abs _section_cstart, $3  }
0xc1: {  	[dreg:$0x1] =	wrdreg $0xFFFFFFFF  }
0xc2: {  	_ =	task.clear_ibuf [dreg:s7], $0x2FFFF;
	_ =	strace $0x9FFFFFFF  }
0xc3: {  	(tm) =	ssettm $0x7FFFFFFF  }
tec
execute0_lowered:
.L_overlay_start_1:
0x0: {  	(tag) =	ssettag $0x1  }
0x1: {  	s1 =	rddreg [dreg:$0x0]  }
0x2: {  	s0 =	rddreg [dreg:$0x1]  }
0x3: {  	s2 =	rddreg [dreg:$0x2];
	s3 =	simm.s32 $0x0;
	s4 =	srdreg.scid  }
0x4: {  	s16 =	stileid.u32;
	s28 =	simm.s32 $0x2;
	s29 =	simm.s32 $0x14080  }
0x5: {  	s30 =	simm.s32 $0x14180;
	s31 =	simm.s32 $0x80;
	[smem:$0x7FF] =	sst s3  }
0x6: {  	s5 =	sadd.s32 $0xBC00, s0;
	s4 =	sand.u32 $0x1, s4;
	s8 =	smul.u32 $0x50000, s16  }
0x7: {  	s6 =	sadd.s32 $0x1C00, s0;
	s0 =	sadd.s32 $0x15C00, s0;
	s12 =	smul.u32 $0x14000, s16  }
0x8: {  	s24 =	sshll.u32 s16, $0x1;
	_ =	strace $0x8000004A;
	s19 =	smul.u32 $0x140000, s4  }
0x9: {  	s7 =	ssub.s32 $0x2, s4;
	s25 =	sor.u32 s4, s24;
	s24 =	smul.u32 $0xA00, s16  }
0xa: {  	s4 =	smul.u32 $0x500, s4;
	s9 =	sshrl.u32 s7, $0x1;
	s8 =	sshrl.u32 s8, $0x2  }
0xb: {  	s14 =	sadd.s32 $0x4000, s12;
	s15 =	sadd.s32 $0x8000, s12;
	s20 =	smul.u32 $0x500, s25  }
0xc: {  	s17 =	sadd.s32 $0xC000, s12;
	s18 =	sadd.s32 $0x10000, s12;
	s13 =	ssub.s32 s7, s9  }
0xd: {  	s7 =	sadd.s32 s8, s2;
	s8 =	sadd.s32 s14, s2;
	s9 =	sadd.s32 s15, s2  }
0xe: {  	s10 =	sadd.s32 s17, s2;
	s11 =	sadd.s32 s18, s2;
	s12 =	sadd.s32 s12, s19  }
0xf: {  	s14 =	sadd.s32 s19, s14;
	s15 =	sadd.s32 s19, s15;
	s22 =	sadd.s32 s19, s17  }
0x10: {  	s23 =	sadd.s32 s19, s18;
	s21 =	sadd.s32 s5, s20;
	s26 =	sadd.s32 s6, s20  }
0x11: {  	s12 =	sshrl.u32 s12, $0x3;
	s14 =	sshrl.u32 s14, $0x3;
	s15 =	sshrl.u32 s15, $0x3  }
0x12: {  	s25 =	sshrl.u32 s23, $0x3;
	s19 =	smax.u32 s13, $0x1;
	[dreg:$0x4] =	wrdreg s21  }
0x13: {  	s23 =	simm.s32 $0x18200;
	[dreg:$0x5] =	wrdreg s26;
	s12 =	sadd.s32 s0, s12  }
0x14: {  	s13 =	simm.s32 $0x0;
	s21 =	sadd.s32 s0, s15;
	[dreg:$0x6] =	wrdreg s12  }
0x15: {  	s26 =	sadd.s32 $0x4F0, s20;
	s12 =	sadd.s32 s0, s14;
	[dreg:$0x8] =	wrdreg s21  }
0x16: {  	s20 =	sadd.s32 s5, s26;
	s21 =	sadd.s32 s6, s26;
	s26 =	simm.s32 $0x14100  }
0x17: {  	[dreg:$0x7] =	wrdreg s12;
	s12 =	sshrl.u32 s22, $0x3;
	s22 =	sadd.s32 s4, s24  }
0x18: {  	s24 =	simm.s32 $0x4;
	s4 =	simm.s32 $0x1;
	s12 =	sadd.s32 s0, s12  }
0x19: {  	s0 =	sadd.s32 s0, s25;
	s25 =	simm.s32 $0x14000;
	[dreg:$0x9] =	wrdreg s12  }
0x1a: {  	v0 =	vimm.f32 $0.0e+00;
	[dreg:$0xa] =	wrdreg s0;
	s0 =	simm.s32 $0x14200;
	s12 =	simm.s32 $0x3  }
.LBB2_1:
0x1b: {  	s14 =	simm.s32 $0x0;
	s15 =	simm.s32 $0x200  }
.LBB2_2:
0x1c: {  	p0 =	sne.s32 s15, $0xFE00;
	[tilespmem:s14+$0x18270] =	vst v0  }
0x1d: {  	[tilespmem:s14+$0x18200] =	vst v0  }
0x1e: {  	[tilespmem:s14+$0x18210] =	vst v0  }
.Ltmp0:
0x1f: {  	[tilespmem:s14+$0x18220] =	vst v0;
	(pc) =	sbr.rel @p0 .LBB2_2-.Ltmp0, $4  }
0x20: {  	[tilespmem:s14+$0x18230] =	vst v0  }
0x21: {  	[tilespmem:s14+$0x18240] =	vst v0  }
0x22: {  	[tilespmem:s14+$0x18250] =	vst v0  }
0x23: {  	[tilespmem:s14+$0x18260] =	vst v0;
	s14 =	sshra.s32 s15, $0x2;
	s15 =	sadd.s32 $0x200, s15  }
0x24: {  	[tilespmem:s14+$0x18270] =	vst v0  }
0x25: {  	[tilespmem:s14+$0x18200] =	vst v0  }
0x26: {  	[tilespmem:s14+$0x18210] =	vst v0  }
0x27: {  	[tilespmem:s14+$0x18220] =	vst v0  }
0x28: {  	[tilespmem:s14+$0x18230] =	vst v0  }
0x29: {  	[tilespmem:s14+$0x18240] =	vst v0  }
0x2a: {  	[tilespmem:s14+$0x18250] =	vst v0  }
0x2b: {  	[tilespmem:s14+$0x18260] =	vst v0  }
0x2c: {  	[spmem:s7] =	stream.linear.scatter [tilespmem:s23], [sflag:$0x4], $0x4000, $0x38;
	[tilespmem:$0x1C200] =	vst v63  }
0x2d: {  	_ =	swait.ge [sflag:s24], $0x4000  }
0x2e: {  	[sflag:s24] =	ssyncset.done $0x0  }
0x2f: {  	[sflag:s24] =	ssyncadd.s32 $0xFFFFC000  }
0x30: {  	[spmem:s8] =	stream.linear.scatter [tilespmem:s23], [sflag:$0x4], $0x4000, $0x38;
	[tilespmem:$0x1C200] =	vst v63  }
0x31: {  	_ =	swait.ge [sflag:s24], $0x4000  }
0x32: {  	[sflag:s24] =	ssyncset.done $0x0  }
0x33: {  	[sflag:s24] =	ssyncadd.s32 $0xFFFFC000  }
0x34: {  	[spmem:s9] =	stream.linear.scatter [tilespmem:s23], [sflag:$0x4], $0x4000, $0x38;
	[tilespmem:$0x1C200] =	vst v63  }
0x35: {  	_ =	swait.ge [sflag:s24], $0x4000  }
0x36: {  	[sflag:s24] =	ssyncset.done $0x0  }
0x37: {  	[sflag:s24] =	ssyncadd.s32 $0xFFFFC000  }
0x38: {  	[spmem:s10] =	stream.linear.scatter [tilespmem:s23], [sflag:$0x4], $0x4000, $0x38;
	[tilespmem:$0x1C200] =	vst v63  }
0x39: {  	_ =	swait.ge [sflag:s24], $0x4000  }
0x3a: {  	[sflag:s24] =	ssyncset.done $0x0  }
0x3b: {  	[sflag:s24] =	ssyncadd.s32 $0xFFFFC000  }
0x3c: {  	[spmem:s11] =	stream.linear.scatter [tilespmem:s23], [sflag:$0x4], $0x4000, $0x38;
	[tilespmem:$0x1C200] =	vst v63  }
0x3d: {  	_ =	swait.ge [sflag:s24], $0x4000  }
0x3e: {  	[sflag:s24] =	ssyncset.done $0x0  }
0x3f: {  	[sflag:s24] =	ssyncadd.s32 $0xFFFFC000  }
0x40: {  	[bflag:$0x0] =	sbarrier.arrive $0xFFFF  }
0x41: {  	s14 =	simm.s32 $0x0;
	s15 =	rddreg [dreg:$0x4]  }
0x42: {  	[tilespmem:s25], [sflag:$0x2] =	stream.linear.gather [hbm4b:s15+s14], $0x80, $0x38;
	[tilespmem:$0x1C200] =	vst v63  }
0x43: {  	s17 =	rddreg [dreg:$0x5]  }
0x44: {  	[tilespmem:s26], [sflag:$0x2] =	stream.linear.gather [hbm4b:s17+s14], $0x80, $0x38;
	[tilespmem:$0x1C200] =	vst v63  }
0x45: {  	_ =	swait.ge [sflag:s28], $0x80  }
0x46: {  	s18 =	sadd.s32 $0x0, s22;
	[sflag:s28] =	ssyncset.done $0x0  }
0x47: {  	s16 =	sand.u32 $0xFFFFF80, s18;
	s14 =	sand.u32 $0x60, s14;
	[sflag:s28] =	ssyncadd.s32 $0xFFFFFF80  }
0x48: {  	s14 =	sor.u32 s16, s14;
	_ =	swait.ge [sflag:s28], $0x80  }
0x49: {  	s14 =	sor.u32 $0x10, s14;
	[sflag:s28] =	ssyncset.done $0x0  }
0x4a: {  	s17 =	sadd.s32 s5, s14;
	[sflag:s28] =	ssyncadd.s32 $0xFFFFFF80  }
0x4b: {  	[tilespmem:s29], [sflag:$0x3] =	stream.linear.gather [hbm4b:s17+s3], $0x80, $0x38;
	[tilespmem:$0x1C200] =	vst v63  }
0x4c: {  	s14 =	sadd.s32 s6, s14  }
0x4d: {  	[tilespmem:s30], [sflag:$0x3] =	stream.linear.gather [hbm4b:s14+s3], $0x80, $0x38;
	[tilespmem:$0x1C200] =	vst v63  }
0x4e: {  	_ = 	snop  }
0x4f: {  	[tilespmem:s0], [sflag:$0x1] =	stream.indirect.gather [hbm4b:s1+s31], $0x80, s25, s31, $0xb8;
	[tilespmem:$0x1C200] =	vst v63  }
0x50: {  	_ =	swait.ge [sflag:s4], $0x4000  }
0x51: {  	[sflag:s4] =	ssyncset.done $0x0  }
0x52: {  	[sflag:s4] =	ssyncadd.s32 $0xFFFFC000  }
0x53: {  	[spmem:s2] =	stream.indirect.scatter.add.f32 [tilespmem:s0], [sflag:$0x4], $0x80, s26, s31, $0xb8;
	[tilespmem:$0x1C200] =	vst v63  }
0x54: {  	_ =	swait.ge [sflag:s24], $0x4000  }
0x55: {  	[sflag:s24] =	ssyncset.done $0x0  }
0x56: {  	[sflag:s24] =	ssyncadd.s32 $0xFFFFC000  }
0x57: {  	_ =	swait.ge [sflag:s12], $0x80  }
0x58: {  	[sflag:s12] =	ssyncset.done $0x0  }
0x59: {  	s15 =	sadd.s32 $0x20, s18;
	s14 =	simm.s32 $0x20;
	[sflag:s12] =	ssyncadd.s32 $0xFFFFFF80  }
0x5a: {  	s15 =	sand.u32 $0xFFFFF80, s15;
	s18 =	sand.u32 $0x70, s14;
	_ =	swait.ge [sflag:s12], $0x80  }
0x5b: {  	s15 =	sor.u32 s18, s15;
	[sflag:s12] =	ssyncset.done $0x0  }
0x5c: {  	s16 =	sadd.s32 s5, s15;
	[sflag:s12] =	ssyncadd.s32 $0xFFFFFF80  }
0x5d: {  	[tilespmem:s25], [sflag:$0x2] =	stream.linear.gather [hbm4b:s16+s3], $0x80, $0x38;
	[tilespmem:$0x1C200] =	vst v63  }
0x5e: {  	s15 =	sadd.s32 s6, s15  }
0x5f: {  	[tilespmem:s26], [sflag:$0x2] =	stream.linear.gather [hbm4b:s15+s3], $0x80, $0x38;
	[tilespmem:$0x1C200] =	vst v63  }
0x60: {  	_ = 	snop  }
0x61: {  	[tilespmem:s0], [sflag:$0x1] =	stream.indirect.gather [hbm4b:s1+s31], $0x80, s29, s31, $0xb8;
	[tilespmem:$0x1C200] =	vst v63  }
0x62: {  	_ =	swait.ge [sflag:s4], $0x4000  }
0x63: {  	[sflag:s4] =	ssyncset.done $0x0  }
0x64: {  	[sflag:s4] =	ssyncadd.s32 $0xFFFFC000  }
0x65: {  	[spmem:s2] =	stream.indirect.scatter.add.f32 [tilespmem:s0], [sflag:$0x4], $0x80, s30, s31, $0xb8;
	[tilespmem:$0x1C200] =	vst v63  }
0x66: {  	_ =	swait.ge [sflag:s24], $0x4000  }
0x67: {  	[sflag:s24] =	ssyncset.done $0x0  }
.LBB2_4:
0x68: {  	p0 =	sne.s32 s14, $0x4C0  }
0x69: {  	[sflag:s24] =	ssyncadd.s32 $0xFFFFC000;
	s15 =	smov.u32 s14;
	s14 =	sadd.s32 $0x20, s14  }
0x6a: {  	_ =	swait.ge [sflag:s28], $0x80  }
0x6b: {  	s16 =	sadd.s32 s15, s22;
	s17 =	sand.u32 $0x70, s14;
	[sflag:s28] =	ssyncset.done $0x0  }
0x6c: {  	s15 =	sand.u32 $0x60, s15;
	s18 =	sand.u32 $0xFFFFF80, s16;
	[sflag:s28] =	ssyncadd.s32 $0xFFFFFF80  }
0x6d: {  	s16 =	sadd.s32 $0x20, s16;
	s15 =	sor.u32 s18, s15;
	_ =	swait.ge [sflag:s28], $0x80  }
0x6e: {  	s16 =	sand.u32 $0xFFFFF80, s16;
	s15 =	sor.u32 $0x10, s15;
	[sflag:s28] =	ssyncset.done $0x0  }
0x6f: {  	s16 =	sor.u32 s17, s16;
	s18 =	sadd.s32 s5, s15;
	[sflag:s28] =	ssyncadd.s32 $0xFFFFFF80  }
0x70: {  	[tilespmem:s29], [sflag:$0x3] =	stream.linear.gather [hbm4b:s18+s3], $0x80, $0x38;
	[tilespmem:$0x1C200] =	vst v63  }
0x71: {  	s15 =	sadd.s32 s6, s15  }
0x72: {  	[tilespmem:s30], [sflag:$0x3] =	stream.linear.gather [hbm4b:s15+s3], $0x80, $0x38;
	[tilespmem:$0x1C200] =	vst v63  }
0x73: {  	_ = 	snop  }
0x74: {  	[tilespmem:s0], [sflag:$0x1] =	stream.indirect.gather [hbm4b:s1+s31], $0x80, s25, s31, $0xb8;
	[tilespmem:$0x1C200] =	vst v63  }
0x75: {  	_ =	swait.ge [sflag:s4], $0x4000  }
0x76: {  	[sflag:s4] =	ssyncset.done $0x0  }
0x77: {  	[sflag:s4] =	ssyncadd.s32 $0xFFFFC000  }
0x78: {  	[spmem:s2] =	stream.indirect.scatter.add.f32 [tilespmem:s0], [sflag:$0x4], $0x80, s26, s31, $0xb8;
	[tilespmem:$0x1C200] =	vst v63  }
0x79: {  	_ =	swait.ge [sflag:s24], $0x4000  }
0x7a: {  	[sflag:s24] =	ssyncset.done $0x0  }
0x7b: {  	[sflag:s24] =	ssyncadd.s32 $0xFFFFC000  }
0x7c: {  	_ =	swait.ge [sflag:s12], $0x80  }
0x7d: {  	[sflag:s12] =	ssyncset.done $0x0  }
0x7e: {  	[sflag:s12] =	ssyncadd.s32 $0xFFFFFF80  }
0x7f: {  	_ =	swait.ge [sflag:s12], $0x80  }
0x80: {  	[sflag:s12] =	ssyncset.done $0x0  }
0x81: {  	s15 =	sadd.s32 s5, s16;
	[sflag:s12] =	ssyncadd.s32 $0xFFFFFF80  }
0x82: {  	[tilespmem:s25], [sflag:$0x2] =	stream.linear.gather [hbm4b:s15+s3], $0x80, $0x38;
	[tilespmem:$0x1C200] =	vst v63  }
0x83: {  	s15 =	sadd.s32 s6, s16  }
0x84: {  	[tilespmem:s26], [sflag:$0x2] =	stream.linear.gather [hbm4b:s15+s3], $0x80, $0x38;
	[tilespmem:$0x1C200] =	vst v63  }
0x85: {  	_ = 	snop  }
0x86: {  	[tilespmem:s0], [sflag:$0x1] =	stream.indirect.gather [hbm4b:s1+s31], $0x80, s29, s31, $0xb8;
	[tilespmem:$0x1C200] =	vst v63  }
0x87: {  	_ =	swait.ge [sflag:s4], $0x4000  }
.Ltmp1:
0x88: {  	[sflag:s4] =	ssyncset.done $0x0;
	(pc) =	sbr.rel @p0 .LBB2_4-.Ltmp1, $4  }
0x89: {  	[sflag:s4] =	ssyncadd.s32 $0xFFFFC000  }
0x8a: {  	[spmem:s2] =	stream.indirect.scatter.add.f32 [tilespmem:s0], [sflag:$0x4], $0x80, s30, s31, $0xb8;
	[tilespmem:$0x1C200] =	vst v63  }
0x8b: {  	_ =	swait.ge [sflag:s24], $0x4000  }
0x8c: {  	[sflag:s24] =	ssyncset.done $0x0  }
0x8d: {  	[sflag:s24] =	ssyncadd.s32 $0xFFFFC000  }
0x8e: {  	_ =	swait.ge [sflag:s28], $0x80  }
0x8f: {  	[sflag:s28] =	ssyncset.done $0x0  }
0x90: {  	[sflag:s28] =	ssyncadd.s32 $0xFFFFFF80  }
0x91: {  	_ =	swait.ge [sflag:s28], $0x80  }
0x92: {  	[sflag:s28] =	ssyncset.done $0x0  }
0x93: {  	[sflag:s28] =	ssyncadd.s32 $0xFFFFFF80  }
0x94: {  	[tilespmem:s29], [sflag:$0x3] =	stream.linear.gather [hbm4b:s20+s3], $0x80, $0x38;
	[tilespmem:$0x1C200] =	vst v63  }
0x95: {  	_ = 	snop  }
0x96: {  	[tilespmem:s30], [sflag:$0x3] =	stream.linear.gather [hbm4b:s21+s3], $0x80, $0x38;
	[tilespmem:$0x1C200] =	vst v63  }
0x97: {  	_ = 	snop  }
0x98: {  	[tilespmem:s0], [sflag:$0x1] =	stream.indirect.gather [hbm4b:s1+s31], $0x80, s25, s31, $0xb8;
	[tilespmem:$0x1C200] =	vst v63  }
0x99: {  	_ =	swait.ge [sflag:s4], $0x4000  }
0x9a: {  	[sflag:s4] =	ssyncset.done $0x0  }
0x9b: {  	[sflag:s4] =	ssyncadd.s32 $0xFFFFC000  }
0x9c: {  	[spmem:s2] =	stream.indirect.scatter.add.f32 [tilespmem:s0], [sflag:$0x4], $0x80, s26, s31, $0xb8;
	[tilespmem:$0x1C200] =	vst v63  }
0x9d: {  	_ =	swait.ge [sflag:s24], $0x4000  }
0x9e: {  	[sflag:s24] =	ssyncset.done $0x0  }
0x9f: {  	[sflag:s24] =	ssyncadd.s32 $0xFFFFC000  }
0xa0: {  	_ =	swait.ge [sflag:s12], $0x80  }
0xa1: {  	[sflag:s12] =	ssyncset.done $0x0  }
0xa2: {  	[sflag:s12] =	ssyncadd.s32 $0xFFFFFF80  }
0xa3: {  	_ =	swait.ge [sflag:s12], $0x80  }
0xa4: {  	[sflag:s12] =	ssyncset.done $0x0  }
0xa5: {  	[sflag:s12] =	ssyncadd.s32 $0xFFFFFF80  }
0xa6: {  	[tilespmem:s25], [sflag:$0x2] =	stream.linear.gather [hbm4b:s20+s3], $0x80, $0x38;
	[tilespmem:$0x1C200] =	vst v63  }
0xa7: {  	_ = 	snop  }
0xa8: {  	[tilespmem:s26], [sflag:$0x2] =	stream.linear.gather [hbm4b:s21+s3], $0x80, $0x38;
	[tilespmem:$0x1C200] =	vst v63  }
0xa9: {  	_ = 	snop  }
0xaa: {  	[tilespmem:s0], [sflag:$0x1] =	stream.indirect.gather [hbm4b:s1+s31], $0x80, s29, s31, $0xb8;
	[tilespmem:$0x1C200] =	vst v63  }
0xab: {  	_ =	swait.ge [sflag:s4], $0x4000  }
0xac: {  	[sflag:s4] =	ssyncset.done $0x0  }
0xad: {  	[sflag:s4] =	ssyncadd.s32 $0xFFFFC000  }
0xae: {  	[spmem:s2] =	stream.indirect.scatter.add.f32 [tilespmem:s0], [sflag:$0x4], $0x80, s30, s31, $0xb8;
	[tilespmem:$0x1C200] =	vst v63  }
0xaf: {  	_ =	swait.ge [sflag:s24], $0x4000  }
0xb0: {  	[sflag:s24] =	ssyncset.done $0x0  }
0xb1: {  	[sflag:s24] =	ssyncadd.s32 $0xFFFFC000  }
0xb2: {  	_ =	swait.ge [sflag:s28], $0x80  }
0xb3: {  	[sflag:s28] =	ssyncset.done $0x0  }
0xb4: {  	[sflag:s28] =	ssyncadd.s32 $0xFFFFFF80  }
0xb5: {  	_ =	swait.ge [sflag:s28], $0x80  }
0xb6: {  	[sflag:s28] =	ssyncset.done $0x0  }
0xb7: {  	[sflag:s28] =	ssyncadd.s32 $0xFFFFFF80  }
0xb8: {  	[bflag:$0x0] =	sbarrier.arrive $0xFFFF  }
0xb9: {  	[tilespmem:s23], [sflag:$0x4] =	stream.linear.gather [spmem:s7], $0x4000, $0x38;
	[tilespmem:$0x1C200] =	vst v63  }
0xba: {  	_ =	swait.ge [sflag:s24], $0x4000  }
0xbb: {  	[sflag:s24] =	ssyncset.done $0x0  }
0xbc: {  	s14 =	rddreg [dreg:$0x6];
	[sflag:s24] =	ssyncadd.s32 $0xFFFFC000  }
0xbd: {  	[hbm4b:s14+s3] =	stream.linear.scatter [tilespmem:s23], [sflag:$0x4], $0x4000, $0x38;
	[tilespmem:$0x1C200] =	vst v63  }
0xbe: {  	_ =	swait.ge [sflag:s24], $0x4000  }
0xbf: {  	[sflag:s24] =	ssyncset.done $0x0  }
0xc0: {  	[sflag:s24] =	ssyncadd.s32 $0xFFFFC000  }
0xc1: {  	[tilespmem:s23], [sflag:$0x4] =	stream.linear.gather [spmem:s8], $0x4000, $0x38;
	[tilespmem:$0x1C200] =	vst v63  }
0xc2: {  	_ =	swait.ge [sflag:s24], $0x4000  }
0xc3: {  	[sflag:s24] =	ssyncset.done $0x0  }
0xc4: {  	s15 =	rddreg [dreg:$0x7];
	[sflag:s24] =	ssyncadd.s32 $0xFFFFC000  }
0xc5: {  	[hbm4b:s15+s3] =	stream.linear.scatter [tilespmem:s23], [sflag:$0x4], $0x4000, $0x38;
	[tilespmem:$0x1C200] =	vst v63  }
0xc6: {  	_ =	swait.ge [sflag:s24], $0x4000  }
0xc7: {  	[sflag:s24] =	ssyncset.done $0x0  }
0xc8: {  	[sflag:s24] =	ssyncadd.s32 $0xFFFFC000  }
0xc9: {  	[tilespmem:s23], [sflag:$0x4] =	stream.linear.gather [spmem:s9], $0x4000, $0x38;
	[tilespmem:$0x1C200] =	vst v63  }
0xca: {  	_ =	swait.ge [sflag:s24], $0x4000  }
0xcb: {  	[sflag:s24] =	ssyncset.done $0x0  }
0xcc: {  	s16 =	rddreg [dreg:$0x8];
	[sflag:s24] =	ssyncadd.s32 $0xFFFFC000  }
0xcd: {  	[hbm4b:s16+s3] =	stream.linear.scatter [tilespmem:s23], [sflag:$0x4], $0x4000, $0x38;
	[tilespmem:$0x1C200] =	vst v63  }
0xce: {  	_ =	swait.ge [sflag:s24], $0x4000  }
0xcf: {  	[sflag:s24] =	ssyncset.done $0x0  }
0xd0: {  	[sflag:s24] =	ssyncadd.s32 $0xFFFFC000  }
0xd1: {  	[tilespmem:s23], [sflag:$0x4] =	stream.linear.gather [spmem:s10], $0x4000, $0x38;
	[tilespmem:$0x1C200] =	vst v63  }
0xd2: {  	_ =	swait.ge [sflag:s24], $0x4000  }
0xd3: {  	[sflag:s24] =	ssyncset.done $0x0  }
0xd4: {  	s17 =	rddreg [dreg:$0x9];
	[sflag:s24] =	ssyncadd.s32 $0xFFFFC000  }
0xd5: {  	[hbm4b:s17+s3] =	stream.linear.scatter [tilespmem:s23], [sflag:$0x4], $0x4000, $0x38;
	[tilespmem:$0x1C200] =	vst v63  }
0xd6: {  	_ =	swait.ge [sflag:s24], $0x4000  }
0xd7: {  	[sflag:s24] =	ssyncset.done $0x0  }
0xd8: {  	[sflag:s24] =	ssyncadd.s32 $0xFFFFC000  }
0xd9: {  	[tilespmem:s23], [sflag:$0x4] =	stream.linear.gather [spmem:s11], $0x4000, $0x38;
	[tilespmem:$0x1C200] =	vst v63  }
0xda: {  	s13 =	sadd.s32 $0x1, s13;
	_ =	swait.ge [sflag:s24], $0x4000  }
0xdb: {  	p0 =	sne.s32 s13, s19;
	[sflag:s24] =	ssyncset.done $0x0  }
.Ltmp2:
0xdc: {  	s18 =	rddreg [dreg:$0xa];
	[sflag:s24] =	ssyncadd.s32 $0xFFFFC000;
	(pc) =	sbr.rel @p0 .LBB2_1-.Ltmp2, $4  }
0xdd: {  	[hbm4b:s18+s3] =	stream.linear.scatter [tilespmem:s23], [sflag:$0x4], $0x4000, $0x38;
	[tilespmem:$0x1C200] =	vst v63  }
0xde: {  	_ =	swait.ge [sflag:s24], $0x4000  }
0xdf: {  	[sflag:s24] =	ssyncset.done $0x0  }
0xe0: {  	[sflag:s24] =	ssyncadd.s32 $0xFFFFC000  }
0xe1: {  	_ =	sfence.sel $0x180000  }
0xe2: {  	[bflag:$0x0] =	sbarrier.arrive $0xFFFF  }
0xe3: {  	_ =	strace $0x9000004A  }
0xe4: {  	s0 =	stileid.u32;
	[bflag:$0x2] =	sbarrier.arrive $0xFFFF  }
0xe5: {  	p0 =	sne.s32 s0, $0x0;
	s0 =	rddreg [dreg:$0x3]  }
0xe6: {  	s0 =	sadd.s32 @!p0 $0x100000, s0  }
0xe7: {  	[sflag:s0] =	ssyncadd.tile.s32 @!p0 $0x1;
	_ =	shalt  }
.Lfunc_end2:
_tile_overlayer_lowered:
.L_overlay_start_2:
0xe8: {  	(tag) =	ssettag $0x2  }
0xe9: {  	s0 =	rddreg [dreg:$0x0];
	s2 =	stileid.u32  }
0xea: {  	s1 =	rddreg [dreg:$0x1];
	p0 =	sne.s32 s2, $0x0  }
0xeb: {  	s3 =	rddreg [dreg:$0x2];
	[bflag:$0x3] =	sbarrier.arrive $0xFFFF;
	s2 =	simm.s32 @!p0 $0x1C04  }
0xec: {  	[timem:s3], [sflag:s2] =	dma.local @!p0 [hbm:s0], s1  }
0xed: {  	s0 =	simm.s32 @!p0 $0x4  }
0xee: {  	_ =	swait.ge @!p0 [sflag:s0], s1  }
0xef: {  	s1 =	ssub.s32 @!p0 $0x0, s1;
	[sflag:s0] =	ssyncset.done @!p0 $0x0  }
0xf0: {  	[sflag:s0] =	ssyncadd.s32 @!p0 s1  }
0xf1: {  	[bflag:$0x3] =	sbarrier.arrive $0xFFFF  }
0xf2: {  	_ =	shalt  }

</sc_bundles>
